<compile_context>
chip_gen: v7x
topology: tpu7x:2x2x1
jax: 0.10.2.dev20260603
libtpu: 0.0.44.dev20260713+nightly
codegen_flags: <defaults>
</compile_context>

<pallas_src>
import functools

import jax
import jax.numpy as jnp
from jax import lax
from jax.experimental import pallas as pl
from jax.experimental.pallas import tpu as pltpu
from jax.experimental.pallas import tpu_sc as plsc

_W = 224
_C = 384
_D = 192
_WG = 4
_PG = 8
_WROWS = _W // _WG
_SLAB = _WROWS * _C
_TROWS = _WROWS * _D
_NBUF = 2


def _sc_body(x_hbm, row_hbm, col_hbm, out_hbm,
             eb, ib0, ib1, ob0, ob1,
             gs0, gs1, ss0, ss1, *, nc, periods):
    wid = lax.axis_index("s") * nc + lax.axis_index("c")
    wg = lax.rem(wid, _WG)
    pg = lax.div(wid, _WG)
    ibufs = (ib0, ib1)
    obufs = (ob0, ob1)
    gsems = (gs0, gs1)
    ssems = (ss0, ss1)

    tab_off = pl.multiple_of(wg * _TROWS, 8)
    pltpu.sync_copy(row_hbm.at[pl.ds(tab_off, _TROWS)], ib0.at[pl.ds(0, _TROWS)])
    pltpu.sync_copy(col_hbm.at[pl.ds(tab_off, _TROWS)],
                    ib0.at[pl.ds(_TROWS, _TROWS)])

    def interleave_row(r, c2):
        xo = pl.multiple_of(r * _C, 8)
        to = pl.multiple_of(r * _D, 8)
        for j in range(_D // 16):
            eb[pl.ds(xo + 16 * j, 16)] = ib0[pl.ds(to + 16 * j, 16)]
        for j in range(_D // 16):
            eb[pl.ds(xo + _D + 16 * j, 16)] = ib0[pl.ds(_TROWS + to + 16 * j, 16)]
        return c2

    lax.fori_loop(0, _WROWS, interleave_row, 0)

    p0 = pg * periods
    row0 = wg * _WROWS

    def slab_off(p_local):
        return pl.multiple_of(((p0 + p_local) * _W + row0) * _C, 8)

    def start_gather(s, p_local):
        pltpu.make_async_copy(
            x_hbm.at[pl.ds(slab_off(p_local), _SLAB)], ibufs[s], gsems[s]
        ).start()

    def wait_gather(s):
        pltpu.make_async_copy(
            x_hbm.at[pl.ds(0, _SLAB)], ibufs[s], gsems[s]
        ).wait()

    def start_scatter(s, p_local):
        pltpu.make_async_copy(
            obufs[s], out_hbm.at[pl.ds(slab_off(p_local), _SLAB)], ssems[s]
        ).start()

    def wait_scatter(s):
        pltpu.make_async_copy(
            obufs[s], out_hbm.at[pl.ds(0, _SLAB)], ssems[s]
        ).wait()

    for s in range(_NBUF):
        start_gather(s, s)

    def outer(g, carry):
        for s in range(_NBUF):
            p_local = g * _NBUF + s
            wait_gather(s)

            @pl.when(g >= 1)
            def _():
                wait_scatter(s)

            def add_chunk(k, c2, ib=ibufs[s], ob=obufs[s]):
                base = pl.multiple_of(k * 128, 8)
                for u in range(8):
                    o = base + 16 * u
                    ob[pl.ds(o, 16)] = ib[pl.ds(o, 16)] + eb[pl.ds(o, 16)]
                return c2

            lax.fori_loop(0, _SLAB // 128, add_chunk, 0)
            start_scatter(s, p_local)

            @pl.when(g < periods // _NBUF - 1)
            def _():
                start_gather(s, p_local + _NBUF)
        return carry

    lax.fori_loop(0, periods // _NBUF, outer, 0)
    for s in range(_NBUF):
        wait_scatter(s)


def kernel(inputs, row_table, col_table):
    B, H, W, C = inputs.shape
    periods = B * H // _PG
    info = plsc.get_sparse_core_info()
    nc = info.num_cores
    mesh = plsc.VectorSubcoreMesh(core_axis_name="c", subcore_axis_name="s")
    n = B * H * W * C
    k = functools.partial(
        pl.kernel,
        mesh=mesh,
        out_type=jax.ShapeDtypeStruct((n,), jnp.float32),
        scratch_types=(
            [pltpu.VMEM((_SLAB,), jnp.float32)] * (2 * _NBUF + 1)
            + [pltpu.SemaphoreType.DMA] * (2 * _NBUF)
        ),
    )(functools.partial(_sc_body, nc=nc, periods=periods))
    out = k(inputs.reshape(-1), row_table.reshape(-1), col_table.reshape(-1))
    return out.reshape(B, H, W, C)

# --- scband reference (transcript-rebuilt; emitter-appended) ---
"""Pipeline reference for scband-positional-embedding2-d-42004780155057 (READ-ONLY COPY).

The authoritative reference and input builder live on the scoring server;
editing this copy changes nothing except your own understanding.
"""

import jax, jax.numpy as jnp
import numpy as np


def setup_inputs(seed: int = 0) -> dict:
    key = jax.random.key(seed)
    k1, k2, k3 = jax.random.split(key, 3)
    B, H, W, C = 4, 224, 224, 384
    d = C // 2
    inputs = jax.random.normal(k1, (B, H, W, C), dtype=jnp.float32)
    # Keras 'uniform' initializer default range is [-0.05, 0.05]
    row_table = jax.random.uniform(k2, (W, d), dtype=jnp.float32, minval=-0.05, maxval=0.05)
    col_table = jax.random.uniform(k3, (H, d), dtype=jnp.float32, minval=-0.05, maxval=0.05)
    return {"inputs": inputs, "row_table": row_table, "col_table": col_table}


def reference(inputs, row_table, col_table):
    B, H, W, C = inputs.shape
    # positions 0..W-1 for rows, 0..H-1 for cols (cast-to-int lookup, as in tf.keras Embedding)
    row_pos = jnp.arange(W, dtype=jnp.int32)
    col_pos = jnp.arange(H, dtype=jnp.int32)
    row_emb = jnp.take(row_table, row_pos, axis=0)   # [W, C//2]
    col_emb = jnp.take(col_table, col_pos, axis=0)   # [H, C//2]
    # Concatenate on last axis (requires H == W), giving [W, C]
    emb = jnp.concatenate([row_emb, col_emb], axis=-1)
    # broadcast [W, C] -> [B, H, W, C] and add
    return inputs + jnp.broadcast_to(emb, inputs.shape)

if __name__ == "__main__":
    import jax
    _d = setup_inputs()
    print(jax.jit(kernel)(*tuple(_d.values())))

</pallas_src>

<mosaic_0001>
#map = affine_map<(d0, d1) -> (0)>
module attributes {stable_mosaic.version = 14 : i64} {
  func.func @_sc_body(%arg0: i32, %arg1: i32, %arg2: memref<77070336xf32, #tpu.memory_space<hbm>>, %arg3: memref<43008xf32, #tpu.memory_space<hbm>>, %arg4: memref<43008xf32, #tpu.memory_space<hbm>>, %arg5: memref<77070336xf32, #tpu.memory_space<hbm>>, %arg6: memref<21504xf32, #tpu.memory_space<vmem>>, %arg7: memref<21504xf32, #tpu.memory_space<vmem>>, %arg8: memref<21504xf32, #tpu.memory_space<vmem>>, %arg9: memref<21504xf32, #tpu.memory_space<vmem>>, %arg10: memref<21504xf32, #tpu.memory_space<vmem>>, %arg11: memref<!tpu.dma_semaphore, #tpu.memory_space<semaphore_mem>>, %arg12: memref<!tpu.dma_semaphore, #tpu.memory_space<semaphore_mem>>, %arg13: memref<!tpu.dma_semaphore, #tpu.memory_space<semaphore_mem>>, %arg14: memref<!tpu.dma_semaphore, #tpu.memory_space<semaphore_mem>>) attributes {dimension_semantics = [#tpu.dimension_semantics<core_parallel>, #tpu.dimension_semantics<subcore_parallel>], iteration_bounds = array<i64: 2, 16>, scalar_prefetch = 0 : i64, scratch_operands = 9 : i64, tpu.core_type = #tpu.core_type<sc_vector_subcore>, window_params = [{transform_indices = #map}, {transform_indices = #map}, {transform_indices = #map}, {transform_indices = #map}]} {
    %mul3A = arith.constant 2 : i32
    %mul3A_0 = arith.muli %arg1, %mul3A : i32
    %add3A = arith.addi %mul3A_0, %arg0 : i32
    %rem3A = arith.constant 4 : i32
    %rem3A_1 = arith.remsi %add3A, %rem3A : i32
    %div3A = arith.constant 4 : i32
    %div3A_2 = arith.divsi %add3A, %div3A : i32
    %mul3A_3 = arith.constant 10752 : i32
    %mul3A_4 = arith.muli %rem3A_1, %mul3A_3 : i32
    %multiple_of3A = tpu.assume_multiple %mul3A_4, 8 : i32
    "tpu.region"() ({
      %run_scoped3A = tpu.sem_alloc : memref<!tpu.dma_semaphore, #tpu.memory_space<semaphore_mem>>
      %dma_start3A_46 = arith.constant 0 : i32
      %dma_start3A_47 = tpu.memref_slice %arg7[%dma_start3A_46] : memref<21504xf32, #tpu.memory_space<vmem>> -> memref<10752xf32, #tpu.memory_space<vmem>>
      %dma_start3A_48 = tpu.memref_slice %arg3[%multiple_of3A] : memref<43008xf32, #tpu.memory_space<hbm>> -> memref<10752xf32, #tpu.memory_space<hbm>>
      %dma_start3A_49 = arith.constant 0 : i32
      %dma_start3A_50 = tpu.memref_slice %arg7[%dma_start3A_49] : memref<21504xf32, #tpu.memory_space<vmem>> -> memref<10752xf32, #tpu.memory_space<vmem>>
      %dma_start3A_51 = tpu.memref_slice %arg3[%multiple_of3A] : memref<43008xf32, #tpu.memory_space<hbm>> -> memref<10752xf32, #tpu.memory_space<hbm>>
      tpu.enqueue_dma source(%dma_start3A_51 : memref<10752xf32, #tpu.memory_space<hbm>>) target(%dma_start3A_50 : memref<10752xf32, #tpu.memory_space<vmem>>) target_semaphore(%run_scoped3A : memref<!tpu.dma_semaphore, #tpu.memory_space<semaphore_mem>>)
      %dma_wait3A_52 = arith.constant 0 : i32
      %dma_wait3A_53 = tpu.memref_slice %arg7[%dma_wait3A_52] : memref<21504xf32, #tpu.memory_space<vmem>> -> memref<10752xf32, #tpu.memory_space<vmem>>
      %dma_wait3A_54 = tpu.memref_slice %arg3[%multiple_of3A] : memref<43008xf32, #tpu.memory_space<hbm>> -> memref<10752xf32, #tpu.memory_space<hbm>>
      %dma_wait3A_55 = arith.constant 0 : i32
      %dma_wait3A_56 = tpu.memref_slice %arg7[%dma_wait3A_55] : memref<21504xf32, #tpu.memory_space<vmem>> -> memref<10752xf32, #tpu.memory_space<vmem>>
      %dma_wait3A_57 = tpu.memref_slice %arg3[%multiple_of3A] : memref<43008xf32, #tpu.memory_space<hbm>> -> memref<10752xf32, #tpu.memory_space<hbm>>
      tpu.wait_dma2 semaphore(%run_scoped3A : memref<!tpu.dma_semaphore, #tpu.memory_space<semaphore_mem>>) src(%dma_wait3A_57 : memref<10752xf32, #tpu.memory_space<hbm>>) dst(%dma_wait3A_56 : memref<10752xf32, #tpu.memory_space<vmem>>)
      tpu.yield
    }) : () -> ()
    "tpu.region"() ({
      %run_scoped3A = tpu.sem_alloc : memref<!tpu.dma_semaphore, #tpu.memory_space<semaphore_mem>>
      %dma_start3A_46 = arith.constant 10752 : i32
      %dma_start3A_47 = tpu.memref_slice %arg7[%dma_start3A_46] : memref<21504xf32, #tpu.memory_space<vmem>> -> memref<10752xf32, #tpu.memory_space<vmem>>
      %dma_start3A_48 = tpu.memref_slice %arg4[%multiple_of3A] : memref<43008xf32, #tpu.memory_space<hbm>> -> memref<10752xf32, #tpu.memory_space<hbm>>
      %dma_start3A_49 = arith.constant 10752 : i32
      %dma_start3A_50 = tpu.memref_slice %arg7[%dma_start3A_49] : memref<21504xf32, #tpu.memory_space<vmem>> -> memref<10752xf32, #tpu.memory_space<vmem>>
      %dma_start3A_51 = tpu.memref_slice %arg4[%multiple_of3A] : memref<43008xf32, #tpu.memory_space<hbm>> -> memref<10752xf32, #tpu.memory_space<hbm>>
      tpu.enqueue_dma source(%dma_start3A_51 : memref<10752xf32, #tpu.memory_space<hbm>>) target(%dma_start3A_50 : memref<10752xf32, #tpu.memory_space<vmem>>) target_semaphore(%run_scoped3A : memref<!tpu.dma_semaphore, #tpu.memory_space<semaphore_mem>>)
      %dma_wait3A_52 = arith.constant 10752 : i32
      %dma_wait3A_53 = tpu.memref_slice %arg7[%dma_wait3A_52] : memref<21504xf32, #tpu.memory_space<vmem>> -> memref<10752xf32, #tpu.memory_space<vmem>>
      %dma_wait3A_54 = tpu.memref_slice %arg4[%multiple_of3A] : memref<43008xf32, #tpu.memory_space<hbm>> -> memref<10752xf32, #tpu.memory_space<hbm>>
      %dma_wait3A_55 = arith.constant 10752 : i32
      %dma_wait3A_56 = tpu.memref_slice %arg7[%dma_wait3A_55] : memref<21504xf32, #tpu.memory_space<vmem>> -> memref<10752xf32, #tpu.memory_space<vmem>>
      %dma_wait3A_57 = tpu.memref_slice %arg4[%multiple_of3A] : memref<43008xf32, #tpu.memory_space<hbm>> -> memref<10752xf32, #tpu.memory_space<hbm>>
      tpu.wait_dma2 semaphore(%run_scoped3A : memref<!tpu.dma_semaphore, #tpu.memory_space<semaphore_mem>>) src(%dma_wait3A_57 : memref<10752xf32, #tpu.memory_space<hbm>>) dst(%dma_wait3A_56 : memref<10752xf32, #tpu.memory_space<vmem>>)
      tpu.yield
    }) : () -> ()
    %scan3A = arith.constant 0 : i32
    %scan3A_5 = arith.constant 0 : i32
    %scan3A_6 = arith.constant 56 : i32
    %scan3A_7 = arith.addi %scan3A_5, %scan3A_6 : i32
    %scan3A_8 = arith.constant 1 : i32
    scf.for %scan3A_46 = %scan3A_5 to %scan3A_7 step %scan3A_8  : i32 {
      %mul3A_47 = arith.constant 384 : i32
      %mul3A_48 = arith.muli %scan3A_46, %mul3A_47 : i32
      %multiple_of3A_49 = tpu.assume_multiple %mul3A_48, 8 : i32
      %mul3A_50 = arith.constant 192 : i32
      %mul3A_51 = arith.muli %scan3A_46, %mul3A_50 : i32
      %multiple_of3A_52 = tpu.assume_multiple %mul3A_51, 8 : i32
      %add3A_53 = arith.constant 0 : i32
      %add3A_54 = arith.addi %multiple_of3A_52, %add3A_53 : i32
      %get3A = arith.index_cast %add3A_54 : i32 to index
      %get3A_55 = tpu.vector_load %arg7[%get3A] {strides = array<i32>} : memref<21504xf32, #tpu.memory_space<vmem>>, vector<16xf32>,
      %get3A_56 = vector.shape_cast %get3A_55 : vector<16xf32> to vector<16xf32>
      %add3A_57 = arith.constant 0 : i32
      %add3A_58 = arith.addi %multiple_of3A_49, %add3A_57 : i32
      %swap3A = arith.index_cast %add3A_58 : i32 to index
      %swap3A_59 = tpu.vector_load %arg6[%swap3A] {strides = array<i32>} : memref<21504xf32, #tpu.memory_space<vmem>>, vector<16xf32>,
      %swap3A_60 = vector.shape_cast %swap3A_59 : vector<16xf32> to vector<16xf32>
      %swap3A_61 = vector.shape_cast %get3A_56 : vector<16xf32> to vector<16xf32>
      tpu.vector_store %arg6[%swap3A], %swap3A_61 {strides = array<i32>} : memref<21504xf32, #tpu.memory_space<vmem>>, vector<16xf32>,
      %add3A_62 = arith.constant 16 : i32
      %add3A_63 = arith.addi %multiple_of3A_52, %add3A_62 : i32
      %get3A_64 = arith.index_cast %add3A_63 : i32 to index
      %get3A_65 = tpu.vector_load %arg7[%get3A_64] {strides = array<i32>} : memref<21504xf32, #tpu.memory_space<vmem>>, vector<16xf32>,
      %get3A_66 = vector.shape_cast %get3A_65 : vector<16xf32> to vector<16xf32>
      %add3A_67 = arith.constant 16 : i32
      %add3A_68 = arith.addi %multiple_of3A_49, %add3A_67 : i32
      %swap3A_69 = arith.index_cast %add3A_68 : i32 to index
      %swap3A_70 = tpu.vector_load %arg6[%swap3A_69] {strides = array<i32>} : memref<21504xf32, #tpu.memory_space<vmem>>, vector<16xf32>,
      %swap3A_71 = vector.shape_cast %swap3A_70 : vector<16xf32> to vector<16xf32>
      %swap3A_72 = vector.shape_cast %get3A_66 : vector<16xf32> to vector<16xf32>
      tpu.vector_store %arg6[%swap3A_69], %swap3A_72 {strides = array<i32>} : memref<21504xf32, #tpu.memory_space<vmem>>, vector<16xf32>,
      %add3A_73 = arith.constant 32 : i32
      %add3A_74 = arith.addi %multiple_of3A_52, %add3A_73 : i32
      %get3A_75 = arith.index_cast %add3A_74 : i32 to index
      %get3A_76 = tpu.vector_load %arg7[%get3A_75] {strides = array<i32>} : memref<21504xf32, #tpu.memory_space<vmem>>, vector<16xf32>,
      %get3A_77 = vector.shape_cast %get3A_76 : vector<16xf32> to vector<16xf32>
      %add3A_78 = arith.constant 32 : i32
      %add3A_79 = arith.addi %multiple_of3A_49, %add3A_78 : i32
      %swap3A_80 = arith.index_cast %add3A_79 : i32 to index
      %swap3A_81 = tpu.vector_load %arg6[%swap3A_80] {strides = array<i32>} : memref<21504xf32, #tpu.memory_space<vmem>>, vector<16xf32>,
      %swap3A_82 = vector.shape_cast %swap3A_81 : vector<16xf32> to vector<16xf32>
      %swap3A_83 = vector.shape_cast %get3A_77 : vector<16xf32> to vector<16xf32>
      tpu.vector_store %arg6[%swap3A_80], %swap3A_83 {strides = array<i32>} : memref<21504xf32, #tpu.memory_space<vmem>>, vector<16xf32>,
      %add3A_84 = arith.constant 48 : i32
      %add3A_85 = arith.addi %multiple_of3A_52, %add3A_84 : i32
      %get3A_86 = arith.index_cast %add3A_85 : i32 to index
      %get3A_87 = tpu.vector_load %arg7[%get3A_86] {strides = array<i32>} : memref<21504xf32, #tpu.memory_space<vmem>>, vector<16xf32>,
      %get3A_88 = vector.shape_cast %get3A_87 : vector<16xf32> to vector<16xf32>
      %add3A_89 = arith.constant 48 : i32
      %add3A_90 = arith.addi %multiple_of3A_49, %add3A_89 : i32
      %swap3A_91 = arith.index_cast %add3A_90 : i32 to index
      %swap3A_92 = tpu.vector_load %arg6[%swap3A_91] {strides = array<i32>} : memref<21504xf32, #tpu.memory_space<vmem>>, vector<16xf32>,
      %swap3A_93 = vector.shape_cast %swap3A_92 : vector<16xf32> to vector<16xf32>
      %swap3A_94 = vector.shape_cast %get3A_88 : vector<16xf32> to vector<16xf32>
      tpu.vector_store %arg6[%swap3A_91], %swap3A_94 {strides = array<i32>} : memref<21504xf32, #tpu.memory_space<vmem>>, vector<16xf32>,
      %add3A_95 = arith.constant 64 : i32
      %add3A_96 = arith.addi %multiple_of3A_52, %add3A_95 : i32
      %get3A_97 = arith.index_cast %add3A_96 : i32 to index
      %get3A_98 = tpu.vector_load %arg7[%get3A_97] {strides = array<i32>} : memref<21504xf32, #tpu.memory_space<vmem>>, vector<16xf32>,
      %get3A_99 = vector.shape_cast %get3A_98 : vector<16xf32> to vector<16xf32>
      %add3A_100 = arith.constant 64 : i32
      %add3A_101 = arith.addi %multiple_of3A_49, %add3A_100 : i32
      %swap3A_102 = arith.index_cast %add3A_101 : i32 to index
      %swap3A_103 = tpu.vector_load %arg6[%swap3A_102] {strides = array<i32>} : memref<21504xf32, #tpu.memory_space<vmem>>, vector<16xf32>,
      %swap3A_104 = vector.shape_cast %swap3A_103 : vector<16xf32> to vector<16xf32>
      %swap3A_105 = vector.shape_cast %get3A_99 : vector<16xf32> to vector<16xf32>
      tpu.vector_store %arg6[%swap3A_102], %swap3A_105 {strides = array<i32>} : memref<21504xf32, #tpu.memory_space<vmem>>, vector<16xf32>,
      %add3A_106 = arith.constant 80 : i32
      %add3A_107 = arith.addi %multiple_of3A_52, %add3A_106 : i32
      %get3A_108 = arith.index_cast %add3A_107 : i32 to index
      %get3A_109 = tpu.vector_load %arg7[%get3A_108] {strides = array<i32>} : memref<21504xf32, #tpu.memory_space<vmem>>, vector<16xf32>,
      %get3A_110 = vector.shape_cast %get3A_109 : vector<16xf32> to vector<16xf32>
      %add3A_111 = arith.constant 80 : i32
      %add3A_112 = arith.addi %multiple_of3A_49, %add3A_111 : i32
      %swap3A_113 = arith.index_cast %add3A_112 : i32 to index
      %swap3A_114 = tpu.vector_load %arg6[%swap3A_113] {strides = array<i32>} : memref<21504xf32, #tpu.memory_space<vmem>>, vector<16xf32>,
      %swap3A_115 = vector.shape_cast %swap3A_114 : vector<16xf32> to vector<16xf32>
      %swap3A_116 = vector.shape_cast %get3A_110 : vector<16xf32> to vector<16xf32>
      tpu.vector_store %arg6[%swap3A_113], %swap3A_116 {strides = array<i32>} : memref<21504xf32, #tpu.memory_space<vmem>>, vector<16xf32>,
      %add3A_117 = arith.constant 96 : i32
      %add3A_118 = arith.addi %multiple_of3A_52, %add3A_117 : i32
      %get3A_119 = arith.index_cast %add3A_118 : i32 to index
      %get3A_120 = tpu.vector_load %arg7[%get3A_119] {strides = array<i32>} : memref<21504xf32, #tpu.memory_space<vmem>>, vector<16xf32>,
      %get3A_121 = vector.shape_cast %get3A_120 : vector<16xf32> to vector<16xf32>
      %add3A_122 = arith.constant 96 : i32
      %add3A_123 = arith.addi %multiple_of3A_49, %add3A_122 : i32
      %swap3A_124 = arith.index_cast %add3A_123 : i32 to index
      %swap3A_125 = tpu.vector_load %arg6[%swap3A_124] {strides = array<i32>} : memref<21504xf32, #tpu.memory_space<vmem>>, vector<16xf32>,
      %swap3A_126 = vector.shape_cast %swap3A_125 : vector<16xf32> to vector<16xf32>
      %swap3A_127 = vector.shape_cast %get3A_121 : vector<16xf32> to vector<16xf32>
      tpu.vector_store %arg6[%swap3A_124], %swap3A_127 {strides = array<i32>} : memref<21504xf32, #tpu.memory_space<vmem>>, vector<16xf32>,
      %add3A_128 = arith.constant 112 : i32
      %add3A_129 = arith.addi %multiple_of3A_52, %add3A_128 : i32
      %get3A_130 = arith.index_cast %add3A_129 : i32 to index
      %get3A_131 = tpu.vector_load %arg7[%get3A_130] {strides = array<i32>} : memref<21504xf32, #tpu.memory_space<vmem>>, vector<16xf32>,
      %get3A_132 = vector.shape_cast %get3A_131 : vector<16xf32> to vector<16xf32>
      %add3A_133 = arith.constant 112 : i32
      %add3A_134 = arith.addi %multiple_of3A_49, %add3A_133 : i32
      %swap3A_135 = arith.index_cast %add3A_134 : i32 to index
      %swap3A_136 = tpu.vector_load %arg6[%swap3A_135] {strides = array<i32>} : memref<21504xf32, #tpu.memory_space<vmem>>, vector<16xf32>,
      %swap3A_137 = vector.shape_cast %swap3A_136 : vector<16xf32> to vector<16xf32>
      %swap3A_138 = vector.shape_cast %get3A_132 : vector<16xf32> to vector<16xf32>
      tpu.vector_store %arg6[%swap3A_135], %swap3A_138 {strides = array<i32>} : memref<21504xf32, #tpu.memory_space<vmem>>, vector<16xf32>,
      %add3A_139 = arith.constant 128 : i32
      %add3A_140 = arith.addi %multiple_of3A_52, %add3A_139 : i32
      %get3A_141 = arith.index_cast %add3A_140 : i32 to index
      %get3A_142 = tpu.vector_load %arg7[%get3A_141] {strides = array<i32>} : memref<21504xf32, #tpu.memory_space<vmem>>, vector<16xf32>,
      %get3A_143 = vector.shape_cast %get3A_142 : vector<16xf32> to vector<16xf32>
      %add3A_144 = arith.constant 128 : i32
      %add3A_145 = arith.addi %multiple_of3A_49, %add3A_144 : i32
      %swap3A_146 = arith.index_cast %add3A_145 : i32 to index
      %swap3A_147 = tpu.vector_load %arg6[%swap3A_146] {strides = array<i32>} : memref<21504xf32, #tpu.memory_space<vmem>>, vector<16xf32>,
      %swap3A_148 = vector.shape_cast %swap3A_147 : vector<16xf32> to vector<16xf32>
      %swap3A_149 = vector.shape_cast %get3A_143 : vector<16xf32> to vector<16xf32>
      tpu.vector_store %arg6[%swap3A_146], %swap3A_149 {strides = array<i32>} : memref<21504xf32, #tpu.memory_space<vmem>>, vector<16xf32>,
      %add3A_150 = arith.constant 144 : i32
      %add3A_151 = arith.addi %multiple_of3A_52, %add3A_150 : i32
      %get3A_152 = arith.index_cast %add3A_151 : i32 to index
      %get3A_153 = tpu.vector_load %arg7[%get3A_152] {strides = array<i32>} : memref<21504xf32, #tpu.memory_space<vmem>>, vector<16xf32>,
      %get3A_154 = vector.shape_cast %get3A_153 : vector<16xf32> to vector<16xf32>
      %add3A_155 = arith.constant 144 : i32
      %add3A_156 = arith.addi %multiple_of3A_49, %add3A_155 : i32
      %swap3A_157 = arith.index_cast %add3A_156 : i32 to index
      %swap3A_158 = tpu.vector_load %arg6[%swap3A_157] {strides = array<i32>} : memref<21504xf32, #tpu.memory_space<vmem>>, vector<16xf32>,
      %swap3A_159 = vector.shape_cast %swap3A_158 : vector<16xf32> to vector<16xf32>
      %swap3A_160 = vector.shape_cast %get3A_154 : vector<16xf32> to vector<16xf32>
      tpu.vector_store %arg6[%swap3A_157], %swap3A_160 {strides = array<i32>} : memref<21504xf32, #tpu.memory_space<vmem>>, vector<16xf32>,
      %add3A_161 = arith.constant 160 : i32
      %add3A_162 = arith.addi %multiple_of3A_52, %add3A_161 : i32
      %get3A_163 = arith.index_cast %add3A_162 : i32 to index
      %get3A_164 = tpu.vector_load %arg7[%get3A_163] {strides = array<i32>} : memref<21504xf32, #tpu.memory_space<vmem>>, vector<16xf32>,
      %get3A_165 = vector.shape_cast %get3A_164 : vector<16xf32> to vector<16xf32>
      %add3A_166 = arith.constant 160 : i32
      %add3A_167 = arith.addi %multiple_of3A_49, %add3A_166 : i32
      %swap3A_168 = arith.index_cast %add3A_167 : i32 to index
      %swap3A_169 = tpu.vector_load %arg6[%swap3A_168] {strides = array<i32>} : memref<21504xf32, #tpu.memory_space<vmem>>, vector<16xf32>,
      %swap3A_170 = vector.shape_cast %swap3A_169 : vector<16xf32> to vector<16xf32>
      %swap3A_171 = vector.shape_cast %get3A_165 : vector<16xf32> to vector<16xf32>
      tpu.vector_store %arg6[%swap3A_168], %swap3A_171 {strides = array<i32>} : memref<21504xf32, #tpu.memory_space<vmem>>, vector<16xf32>,
      %add3A_172 = arith.constant 176 : i32
      %add3A_173 = arith.addi %multiple_of3A_52, %add3A_172 : i32
      %get3A_174 = arith.index_cast %add3A_173 : i32 to index
      %get3A_175 = tpu.vector_load %arg7[%get3A_174] {strides = array<i32>} : memref<21504xf32, #tpu.memory_space<vmem>>, vector<16xf32>,
      %get3A_176 = vector.shape_cast %get3A_175 : vector<16xf32> to vector<16xf32>
      %add3A_177 = arith.constant 176 : i32
      %add3A_178 = arith.addi %multiple_of3A_49, %add3A_177 : i32
      %swap3A_179 = arith.index_cast %add3A_178 : i32 to index
      %swap3A_180 = tpu.vector_load %arg6[%swap3A_179] {strides = array<i32>} : memref<21504xf32, #tpu.memory_space<vmem>>, vector<16xf32>,
      %swap3A_181 = vector.shape_cast %swap3A_180 : vector<16xf32> to vector<16xf32>
      %swap3A_182 = vector.shape_cast %get3A_176 : vector<16xf32> to vector<16xf32>
      tpu.vector_store %arg6[%swap3A_179], %swap3A_182 {strides = array<i32>} : memref<21504xf32, #tpu.memory_space<vmem>>, vector<16xf32>,
      %add3A_183 = arith.constant 10752 : i32
      %add3A_184 = arith.addi %add3A_183, %multiple_of3A_52 : i32
      %add3A_185 = arith.constant 0 : i32
      %add3A_186 = arith.addi %add3A_184, %add3A_185 : i32
      %get3A_187 = arith.index_cast %add3A_186 : i32 to index
      %get3A_188 = tpu.vector_load %arg7[%get3A_187] {strides = array<i32>} : memref<21504xf32, #tpu.memory_space<vmem>>, vector<16xf32>,
      %get3A_189 = vector.shape_cast %get3A_188 : vector<16xf32> to vector<16xf32>
      %add3A_190 = arith.constant 192 : i32
      %add3A_191 = arith.addi %multiple_of3A_49, %add3A_190 : i32
      %add3A_192 = arith.constant 0 : i32
      %add3A_193 = arith.addi %add3A_191, %add3A_192 : i32
      %swap3A_194 = arith.index_cast %add3A_193 : i32 to index
      %swap3A_195 = tpu.vector_load %arg6[%swap3A_194] {strides = array<i32>} : memref<21504xf32, #tpu.memory_space<vmem>>, vector<16xf32>,
      %swap3A_196 = vector.shape_cast %swap3A_195 : vector<16xf32> to vector<16xf32>
      %swap3A_197 = vector.shape_cast %get3A_189 : vector<16xf32> to vector<16xf32>
      tpu.vector_store %arg6[%swap3A_194], %swap3A_197 {strides = array<i32>} : memref<21504xf32, #tpu.memory_space<vmem>>, vector<16xf32>,
      %add3A_198 = arith.constant 10752 : i32
      %add3A_199 = arith.addi %add3A_198, %multiple_of3A_52 : i32
      %add3A_200 = arith.constant 16 : i32
      %add3A_201 = arith.addi %add3A_199, %add3A_200 : i32
      %get3A_202 = arith.index_cast %add3A_201 : i32 to index
      %get3A_203 = tpu.vector_load %arg7[%get3A_202] {strides = array<i32>} : memref<21504xf32, #tpu.memory_space<vmem>>, vector<16xf32>,
      %get3A_204 = vector.shape_cast %get3A_203 : vector<16xf32> to vector<16xf32>
      %add3A_205 = arith.constant 192 : i32
      %add3A_206 = arith.addi %multiple_of3A_49, %add3A_205 : i32
      %add3A_207 = arith.constant 16 : i32
      %add3A_208 = arith.addi %add3A_206, %add3A_207 : i32
      %swap3A_209 = arith.index_cast %add3A_208 : i32 to index
      %swap3A_210 = tpu.vector_load %arg6[%swap3A_209] {strides = array<i32>} : memref<21504xf32, #tpu.memory_space<vmem>>, vector<16xf32>,
      %swap3A_211 = vector.shape_cast %swap3A_210 : vector<16xf32> to vector<16xf32>
      %swap3A_212 = vector.shape_cast %get3A_204 : vector<16xf32> to vector<16xf32>
      tpu.vector_store %arg6[%swap3A_209], %swap3A_212 {strides = array<i32>} : memref<21504xf32, #tpu.memory_space<vmem>>, vector<16xf32>,
      %add3A_213 = arith.constant 10752 : i32
      %add3A_214 = arith.addi %add3A_213, %multiple_of3A_52 : i32
      %add3A_215 = arith.constant 32 : i32
      %add3A_216 = arith.addi %add3A_214, %add3A_215 : i32
      %get3A_217 = arith.index_cast %add3A_216 : i32 to index
      %get3A_218 = tpu.vector_load %arg7[%get3A_217] {strides = array<i32>} : memref<21504xf32, #tpu.memory_space<vmem>>, vector<16xf32>,
      %get3A_219 = vector.shape_cast %get3A_218 : vector<16xf32> to vector<16xf32>
      %add3A_220 = arith.constant 192 : i32
      %add3A_221 = arith.addi %multiple_of3A_49, %add3A_220 : i32
      %add3A_222 = arith.constant 32 : i32
      %add3A_223 = arith.addi %add3A_221, %add3A_222 : i32
      %swap3A_224 = arith.index_cast %add3A_223 : i32 to index
      %swap3A_225 = tpu.vector_load %arg6[%swap3A_224] {strides = array<i32>} : memref<21504xf32, #tpu.memory_space<vmem>>, vector<16xf32>,
      %swap3A_226 = vector.shape_cast %swap3A_225 : vector<16xf32> to vector<16xf32>
      %swap3A_227 = vector.shape_cast %get3A_219 : vector<16xf32> to vector<16xf32>
      tpu.vector_store %arg6[%swap3A_224], %swap3A_227 {strides = array<i32>} : memref<21504xf32, #tpu.memory_space<vmem>>, vector<16xf32>,
      %add3A_228 = arith.constant 10752 : i32
      %add3A_229 = arith.addi %add3A_228, %multiple_of3A_52 : i32
      %add3A_230 = arith.constant 48 : i32
      %add3A_231 = arith.addi %add3A_229, %add3A_230 : i32
      %get3A_232 = arith.index_cast %add3A_231 : i32 to index
      %get3A_233 = tpu.vector_load %arg7[%get3A_232] {strides = array<i32>} : memref<21504xf32, #tpu.memory_space<vmem>>, vector<16xf32>,
      %get3A_234 = vector.shape_cast %get3A_233 : vector<16xf32> to vector<16xf32>
      %add3A_235 = arith.constant 192 : i32
      %add3A_236 = arith.addi %multiple_of3A_49, %add3A_235 : i32
      %add3A_237 = arith.constant 48 : i32
      %add3A_238 = arith.addi %add3A_236, %add3A_237 : i32
      %swap3A_239 = arith.index_cast %add3A_238 : i32 to index
      %swap3A_240 = tpu.vector_load %arg6[%swap3A_239] {strides = array<i32>} : memref<21504xf32, #tpu.memory_space<vmem>>, vector<16xf32>,
      %swap3A_241 = vector.shape_cast %swap3A_240 : vector<16xf32> to vector<16xf32>
      %swap3A_242 = vector.shape_cast %get3A_234 : vector<16xf32> to vector<16xf32>
      tpu.vector_store %arg6[%swap3A_239], %swap3A_242 {strides = array<i32>} : memref<21504xf32, #tpu.memory_space<vmem>>, vector<16xf32>,
      %add3A_243 = arith.constant 10752 : i32
      %add3A_244 = arith.addi %add3A_243, %multiple_of3A_52 : i32
      %add3A_245 = arith.constant 64 : i32
      %add3A_246 = arith.addi %add3A_244, %add3A_245 : i32
      %get3A_247 = arith.index_cast %add3A_246 : i32 to index
      %get3A_248 = tpu.vector_load %arg7[%get3A_247] {strides = array<i32>} : memref<21504xf32, #tpu.memory_space<vmem>>, vector<16xf32>,
      %get3A_249 = vector.shape_cast %get3A_248 : vector<16xf32> to vector<16xf32>
      %add3A_250 = arith.constant 192 : i32
      %add3A_251 = arith.addi %multiple_of3A_49, %add3A_250 : i32
      %add3A_252 = arith.constant 64 : i32
      %add3A_253 = arith.addi %add3A_251, %add3A_252 : i32
      %swap3A_254 = arith.index_cast %add3A_253 : i32 to index
      %swap3A_255 = tpu.vector_load %arg6[%swap3A_254] {strides = array<i32>} : memref<21504xf32, #tpu.memory_space<vmem>>, vector<16xf32>,
      %swap3A_256 = vector.shape_cast %swap3A_255 : vector<16xf32> to vector<16xf32>
      %swap3A_257 = vector.shape_cast %get3A_249 : vector<16xf32> to vector<16xf32>
      tpu.vector_store %arg6[%swap3A_254], %swap3A_257 {strides = array<i32>} : memref<21504xf32, #tpu.memory_space<vmem>>, vector<16xf32>,
      %add3A_258 = arith.constant 10752 : i32
      %add3A_259 = arith.addi %add3A_258, %multiple_of3A_52 : i32
      %add3A_260 = arith.constant 80 : i32
      %add3A_261 = arith.addi %add3A_259, %add3A_260 : i32
      %get3A_262 = arith.index_cast %add3A_261 : i32 to index
      %get3A_263 = tpu.vector_load %arg7[%get3A_262] {strides = array<i32>} : memref<21504xf32, #tpu.memory_space<vmem>>, vector<16xf32>,
      %get3A_264 = vector.shape_cast %get3A_263 : vector<16xf32> to vector<16xf32>
      %add3A_265 = arith.constant 192 : i32
      %add3A_266 = arith.addi %multiple_of3A_49, %add3A_265 : i32
      %add3A_267 = arith.constant 80 : i32
      %add3A_268 = arith.addi %add3A_266, %add3A_267 : i32
      %swap3A_269 = arith.index_cast %add3A_268 : i32 to index
      %swap3A_270 = tpu.vector_load %arg6[%swap3A_269] {strides = array<i32>} : memref<21504xf32, #tpu.memory_space<vmem>>, vector<16xf32>,
      %swap3A_271 = vector.shape_cast %swap3A_270 : vector<16xf32> to vector<16xf32>
      %swap3A_272 = vector.shape_cast %get3A_264 : vector<16xf32> to vector<16xf32>
      tpu.vector_store %arg6[%swap3A_269], %swap3A_272 {strides = array<i32>} : memref<21504xf32, #tpu.memory_space<vmem>>, vector<16xf32>,
      %add3A_273 = arith.constant 10752 : i32
      %add3A_274 = arith.addi %add3A_273, %multiple_of3A_52 : i32
      %add3A_275 = arith.constant 96 : i32
      %add3A_276 = arith.addi %add3A_274, %add3A_275 : i32
      %get3A_277 = arith.index_cast %add3A_276 : i32 to index
      %get3A_278 = tpu.vector_load %arg7[%get3A_277] {strides = array<i32>} : memref<21504xf32, #tpu.memory_space<vmem>>, vector<16xf32>,
      %get3A_279 = vector.shape_cast %get3A_278 : vector<16xf32> to vector<16xf32>
      %add3A_280 = arith.constant 192 : i32
      %add3A_281 = arith.addi %multiple_of3A_49, %add3A_280 : i32
      %add3A_282 = arith.constant 96 : i32
      %add3A_283 = arith.addi %add3A_281, %add3A_282 : i32
      %swap3A_284 = arith.index_cast %add3A_283 : i32 to index
      %swap3A_285 = tpu.vector_load %arg6[%swap3A_284] {strides = array<i32>} : memref<21504xf32, #tpu.memory_space<vmem>>, vector<16xf32>,
      %swap3A_286 = vector.shape_cast %swap3A_285 : vector<16xf32> to vector<16xf32>
      %swap3A_287 = vector.shape_cast %get3A_279 : vector<16xf32> to vector<16xf32>
      tpu.vector_store %arg6[%swap3A_284], %swap3A_287 {strides = array<i32>} : memref<21504xf32, #tpu.memory_space<vmem>>, vector<16xf32>,
      %add3A_288 = arith.constant 10752 : i32
      %add3A_289 = arith.addi %add3A_288, %multiple_of3A_52 : i32
      %add3A_290 = arith.constant 112 : i32
      %add3A_291 = arith.addi %add3A_289, %add3A_290 : i32
      %get3A_292 = arith.index_cast %add3A_291 : i32 to index
      %get3A_293 = tpu.vector_load %arg7[%get3A_292] {strides = array<i32>} : memref<21504xf32, #tpu.memory_space<vmem>>, vector<16xf32>,
      %get3A_294 = vector.shape_cast %get3A_293 : vector<16xf32> to vector<16xf32>
      %add3A_295 = arith.constant 192 : i32
      %add3A_296 = arith.addi %multiple_of3A_49, %add3A_295 : i32
      %add3A_297 = arith.constant 112 : i32
      %add3A_298 = arith.addi %add3A_296, %add3A_297 : i32
      %swap3A_299 = arith.index_cast %add3A_298 : i32 to index
      %swap3A_300 = tpu.vector_load %arg6[%swap3A_299] {strides = array<i32>} : memref<21504xf32, #tpu.memory_space<vmem>>, vector<16xf32>,
      %swap3A_301 = vector.shape_cast %swap3A_300 : vector<16xf32> to vector<16xf32>
      %swap3A_302 = vector.shape_cast %get3A_294 : vector<16xf32> to vector<16xf32>
      tpu.vector_store %arg6[%swap3A_299], %swap3A_302 {strides = array<i32>} : memref<21504xf32, #tpu.memory_space<vmem>>, vector<16xf32>,
      %add3A_303 = arith.constant 10752 : i32
      %add3A_304 = arith.addi %add3A_303, %multiple_of3A_52 : i32
      %add3A_305 = arith.constant 128 : i32
      %add3A_306 = arith.addi %add3A_304, %add3A_305 : i32
      %get3A_307 = arith.index_cast %add3A_306 : i32 to index
      %get3A_308 = tpu.vector_load %arg7[%get3A_307] {strides = array<i32>} : memref<21504xf32, #tpu.memory_space<vmem>>, vector<16xf32>,
      %get3A_309 = vector.shape_cast %get3A_308 : vector<16xf32> to vector<16xf32>
      %add3A_310 = arith.constant 192 : i32
      %add3A_311 = arith.addi %multiple_of3A_49, %add3A_310 : i32
      %add3A_312 = arith.constant 128 : i32
      %add3A_313 = arith.addi %add3A_311, %add3A_312 : i32
      %swap3A_314 = arith.index_cast %add3A_313 : i32 to index
      %swap3A_315 = tpu.vector_load %arg6[%swap3A_314] {strides = array<i32>} : memref<21504xf32, #tpu.memory_space<vmem>>, vector<16xf32>,
      %swap3A_316 = vector.shape_cast %swap3A_315 : vector<16xf32> to vector<16xf32>
      %swap3A_317 = vector.shape_cast %get3A_309 : vector<16xf32> to vector<16xf32>
      tpu.vector_store %arg6[%swap3A_314], %swap3A_317 {strides = array<i32>} : memref<21504xf32, #tpu.memory_space<vmem>>, vector<16xf32>,
      %add3A_318 = arith.constant 10752 : i32
      %add3A_319 = arith.addi %add3A_318, %multiple_of3A_52 : i32
      %add3A_320 = arith.constant 144 : i32
      %add3A_321 = arith.addi %add3A_319, %add3A_320 : i32
      %get3A_322 = arith.index_cast %add3A_321 : i32 to index
      %get3A_323 = tpu.vector_load %arg7[%get3A_322] {strides = array<i32>} : memref<21504xf32, #tpu.memory_space<vmem>>, vector<16xf32>,
      %get3A_324 = vector.shape_cast %get3A_323 : vector<16xf32> to vector<16xf32>
      %add3A_325 = arith.constant 192 : i32
      %add3A_326 = arith.addi %multiple_of3A_49, %add3A_325 : i32
      %add3A_327 = arith.constant 144 : i32
      %add3A_328 = arith.addi %add3A_326, %add3A_327 : i32
      %swap3A_329 = arith.index_cast %add3A_328 : i32 to index
      %swap3A_330 = tpu.vector_load %arg6[%swap3A_329] {strides = array<i32>} : memref<21504xf32, #tpu.memory_space<vmem>>, vector<16xf32>,
      %swap3A_331 = vector.shape_cast %swap3A_330 : vector<16xf32> to vector<16xf32>
      %swap3A_332 = vector.shape_cast %get3A_324 : vector<16xf32> to vector<16xf32>
      tpu.vector_store %arg6[%swap3A_329], %swap3A_332 {strides = array<i32>} : memref<21504xf32, #tpu.memory_space<vmem>>, vector<16xf32>,
      %add3A_333 = arith.constant 10752 : i32
      %add3A_334 = arith.addi %add3A_333, %multiple_of3A_52 : i32
      %add3A_335 = arith.constant 160 : i32
      %add3A_336 = arith.addi %add3A_334, %add3A_335 : i32
      %get3A_337 = arith.index_cast %add3A_336 : i32 to index
      %get3A_338 = tpu.vector_load %arg7[%get3A_337] {strides = array<i32>} : memref<21504xf32, #tpu.memory_space<vmem>>, vector<16xf32>,
      %get3A_339 = vector.shape_cast %get3A_338 : vector<16xf32> to vector<16xf32>
      %add3A_340 = arith.constant 192 : i32
      %add3A_341 = arith.addi %multiple_of3A_49, %add3A_340 : i32
      %add3A_342 = arith.constant 160 : i32
      %add3A_343 = arith.addi %add3A_341, %add3A_342 : i32
      %swap3A_344 = arith.index_cast %add3A_343 : i32 to index
      %swap3A_345 = tpu.vector_load %arg6[%swap3A_344] {strides = array<i32>} : memref<21504xf32, #tpu.memory_space<vmem>>, vector<16xf32>,
      %swap3A_346 = vector.shape_cast %swap3A_345 : vector<16xf32> to vector<16xf32>
      %swap3A_347 = vector.shape_cast %get3A_339 : vector<16xf32> to vector<16xf32>
      tpu.vector_store %arg6[%swap3A_344], %swap3A_347 {strides = array<i32>} : memref<21504xf32, #tpu.memory_space<vmem>>, vector<16xf32>,
      %add3A_348 = arith.constant 10752 : i32
      %add3A_349 = arith.addi %add3A_348, %multiple_of3A_52 : i32
      %add3A_350 = arith.constant 176 : i32
      %add3A_351 = arith.addi %add3A_349, %add3A_350 : i32
      %get3A_352 = arith.index_cast %add3A_351 : i32 to index
      %get3A_353 = tpu.vector_load %arg7[%get3A_352] {strides = array<i32>} : memref<21504xf32, #tpu.memory_space<vmem>>, vector<16xf32>,
      %get3A_354 = vector.shape_cast %get3A_353 : vector<16xf32> to vector<16xf32>
      %add3A_355 = arith.constant 192 : i32
      %add3A_356 = arith.addi %multiple_of3A_49, %add3A_355 : i32
      %add3A_357 = arith.constant 176 : i32
      %add3A_358 = arith.addi %add3A_356, %add3A_357 : i32
      %swap3A_359 = arith.index_cast %add3A_358 : i32 to index
      %swap3A_360 = tpu.vector_load %arg6[%swap3A_359] {strides = array<i32>} : memref<21504xf32, #tpu.memory_space<vmem>>, vector<16xf32>,
      %swap3A_361 = vector.shape_cast %swap3A_360 : vector<16xf32> to vector<16xf32>
      %swap3A_362 = vector.shape_cast %get3A_354 : vector<16xf32> to vector<16xf32>
      tpu.vector_store %arg6[%swap3A_359], %swap3A_362 {strides = array<i32>} : memref<21504xf32, #tpu.memory_space<vmem>>, vector<16xf32>,
    }
    %scan3A_9 = arith.constant 56 : i32
    %mul3A_10 = arith.constant 112 : i32
    %mul3A_11 = arith.muli %div3A_2, %mul3A_10 : i32
    %mul3A_12 = arith.constant 56 : i32
    %mul3A_13 = arith.muli %rem3A_1, %mul3A_12 : i32
    %add3A_14 = arith.constant 0 : i32
    %add3A_15 = arith.addi %mul3A_11, %add3A_14 : i32
    %mul3A_16 = arith.constant 224 : i32
    %mul3A_17 = arith.muli %add3A_15, %mul3A_16 : i32
    %add3A_18 = arith.addi %mul3A_17, %mul3A_13 : i32
    %mul3A_19 = arith.constant 384 : i32
    %mul3A_20 = arith.muli %add3A_18, %mul3A_19 : i32
    %multiple_of3A_21 = tpu.assume_multiple %mul3A_20, 8 : i32
    %dma_start3A = tpu.memref_slice %arg2[%multiple_of3A_21] : memref<77070336xf32, #tpu.memory_space<hbm>> -> memref<21504xf32, #tpu.memory_space<hbm>>
    %dma_start3A_22 = tpu.memref_slice %arg2[%multiple_of3A_21] : memref<77070336xf32, #tpu.memory_space<hbm>> -> memref<21504xf32, #tpu.memory_space<hbm>>
    tpu.enqueue_dma source(%dma_start3A_22 : memref<21504xf32, #tpu.memory_space<hbm>>) target(%arg7 : memref<21504xf32, #tpu.memory_space<vmem>>) target_semaphore(%arg11 : memref<!tpu.dma_semaphore, #tpu.memory_space<semaphore_mem>>)
    %add3A_23 = arith.constant 1 : i32
    %add3A_24 = arith.addi %mul3A_11, %add3A_23 : i32
    %mul3A_25 = arith.constant 224 : i32
    %mul3A_26 = arith.muli %add3A_24, %mul3A_25 : i32
    %add3A_27 = arith.addi %mul3A_26, %mul3A_13 : i32
    %mul3A_28 = arith.constant 384 : i32
    %mul3A_29 = arith.muli %add3A_27, %mul3A_28 : i32
    %multiple_of3A_30 = tpu.assume_multiple %mul3A_29, 8 : i32
    %dma_start3A_31 = tpu.memref_slice %arg2[%multiple_of3A_30] : memref<77070336xf32, #tpu.memory_space<hbm>> -> memref<21504xf32, #tpu.memory_space<hbm>>
    %dma_start3A_32 = tpu.memref_slice %arg2[%multiple_of3A_30] : memref<77070336xf32, #tpu.memory_space<hbm>> -> memref<21504xf32, #tpu.memory_space<hbm>>
    tpu.enqueue_dma source(%dma_start3A_32 : memref<21504xf32, #tpu.memory_space<hbm>>) target(%arg8 : memref<21504xf32, #tpu.memory_space<vmem>>) target_semaphore(%arg12 : memref<!tpu.dma_semaphore, #tpu.memory_space<semaphore_mem>>)
    %scan3A_33 = arith.constant 0 : i32
    %scan3A_34 = arith.constant 0 : i32
    %scan3A_35 = arith.constant 56 : i32
    %scan3A_36 = arith.addi %scan3A_34, %scan3A_35 : i32
    %scan3A_37 = arith.constant 1 : i32
    scf.for %scan3A_46 = %scan3A_34 to %scan3A_36 step %scan3A_37  : i32 {
      %mul3A_47 = arith.constant 2 : i32
      %mul3A_48 = arith.muli %scan3A_46, %mul3A_47 : i32
      %add3A_49 = arith.constant 0 : i32
      %add3A_50 = arith.addi %mul3A_48, %add3A_49 : i32
      %dma_wait3A_51 = arith.constant 0 : i32
      %dma_wait3A_52 = tpu.memref_slice %arg2[%dma_wait3A_51] : memref<77070336xf32, #tpu.memory_space<hbm>> -> memref<21504xf32, #tpu.memory_space<hbm>>
      %dma_wait3A_53 = arith.constant 0 : i32
      %dma_wait3A_54 = tpu.memref_slice %arg2[%dma_wait3A_53] : memref<77070336xf32, #tpu.memory_space<hbm>> -> memref<21504xf32, #tpu.memory_space<hbm>>
      tpu.wait_dma2 semaphore(%arg11 : memref<!tpu.dma_semaphore, #tpu.memory_space<semaphore_mem>>) src(%dma_wait3A_54 : memref<21504xf32, #tpu.memory_space<hbm>>) dst(%arg7 : memref<21504xf32, #tpu.memory_space<vmem>>)
      %ge3A = arith.constant 1 : i32
      %ge3A_55 = arith.cmpi sge, %scan3A_46, %ge3A : i32
      %convert_element_type3A = arith.extui %ge3A_55 : i1 to i32
      %cond3A = arith.constant 0 : i32
      %cond3A_56 = arith.cmpi ne, %convert_element_type3A, %cond3A : i32
      scf.if %cond3A_56 {
        %dma_wait3A_109 = arith.constant 0 : i32
        %dma_wait3A_110 = tpu.memref_slice %arg5[%dma_wait3A_109] : memref<77070336xf32, #tpu.memory_space<hbm>> -> memref<21504xf32, #tpu.memory_space<hbm>>
        %dma_wait3A_111 = arith.constant 0 : i32
        %dma_wait3A_112 = tpu.memref_slice %arg5[%dma_wait3A_111] : memref<77070336xf32, #tpu.memory_space<hbm>> -> memref<21504xf32, #tpu.memory_space<hbm>>
        tpu.wait_dma2 semaphore(%arg13 : memref<!tpu.dma_semaphore, #tpu.memory_space<semaphore_mem>>) src(%arg9 : memref<21504xf32, #tpu.memory_space<vmem>>) dst(%dma_wait3A_112 : memref<21504xf32, #tpu.memory_space<hbm>>)
      } else {
      }
      %scan3A_57 = arith.constant 0 : i32
      %scan3A_58 = arith.constant 0 : i32
      %scan3A_59 = arith.constant 168 : i32
      %scan3A_60 = arith.addi %scan3A_58, %scan3A_59 : i32
      %scan3A_61 = arith.constant 1 : i32
      scf.for %scan3A_109 = %scan3A_58 to %scan3A_60 step %scan3A_61  : i32 {
        %mul3A_110 = arith.constant 128 : i32
        %mul3A_111 = arith.muli %scan3A_109, %mul3A_110 : i32
        %multiple_of3A_112 = tpu.assume_multiple %mul3A_111, 8 : i32
        %add3A_113 = arith.constant 0 : i32
        %add3A_114 = arith.addi %multiple_of3A_112, %add3A_113 : i32
        %get3A = arith.index_cast %add3A_114 : i32 to index
        %get3A_115 = tpu.vector_load %arg7[%get3A] {strides = array<i32>} : memref<21504xf32, #tpu.memory_space<vmem>>, vector<16xf32>,
        %get3A_116 = vector.shape_cast %get3A_115 : vector<16xf32> to vector<16xf32>
        %get3A_117 = arith.index_cast %add3A_114 : i32 to index
        %get3A_118 = tpu.vector_load %arg6[%get3A_117] {strides = array<i32>} : memref<21504xf32, #tpu.memory_space<vmem>>, vector<16xf32>,
        %get3A_119 = vector.shape_cast %get3A_118 : vector<16xf32> to vector<16xf32>
        %add3A_120 = arith.addf %get3A_116, %get3A_119 : vector<16xf32>
        %swap3A = arith.index_cast %add3A_114 : i32 to index
        %swap3A_121 = tpu.vector_load %arg9[%swap3A] {strides = array<i32>} : memref<21504xf32, #tpu.memory_space<vmem>>, vector<16xf32>,
        %swap3A_122 = vector.shape_cast %swap3A_121 : vector<16xf32> to vector<16xf32>
        %swap3A_123 = vector.shape_cast %add3A_120 : vector<16xf32> to vector<16xf32>
        tpu.vector_store %arg9[%swap3A], %swap3A_123 {strides = array<i32>} : memref<21504xf32, #tpu.memory_space<vmem>>, vector<16xf32>,
        %add3A_124 = arith.constant 16 : i32
        %add3A_125 = arith.addi %multiple_of3A_112, %add3A_124 : i32
        %get3A_126 = arith.index_cast %add3A_125 : i32 to index
        %get3A_127 = tpu.vector_load %arg7[%get3A_126] {strides = array<i32>} : memref<21504xf32, #tpu.memory_space<vmem>>, vector<16xf32>,
        %get3A_128 = vector.shape_cast %get3A_127 : vector<16xf32> to vector<16xf32>
        %get3A_129 = arith.index_cast %add3A_125 : i32 to index
        %get3A_130 = tpu.vector_load %arg6[%get3A_129] {strides = array<i32>} : memref<21504xf32, #tpu.memory_space<vmem>>, vector<16xf32>,
        %get3A_131 = vector.shape_cast %get3A_130 : vector<16xf32> to vector<16xf32>
        %add3A_132 = arith.addf %get3A_128, %get3A_131 : vector<16xf32>
        %swap3A_133 = arith.index_cast %add3A_125 : i32 to index
        %swap3A_134 = tpu.vector_load %arg9[%swap3A_133] {strides = array<i32>} : memref<21504xf32, #tpu.memory_space<vmem>>, vector<16xf32>,
        %swap3A_135 = vector.shape_cast %swap3A_134 : vector<16xf32> to vector<16xf32>
        %swap3A_136 = vector.shape_cast %add3A_132 : vector<16xf32> to vector<16xf32>
        tpu.vector_store %arg9[%swap3A_133], %swap3A_136 {strides = array<i32>} : memref<21504xf32, #tpu.memory_space<vmem>>, vector<16xf32>,
        %add3A_137 = arith.constant 32 : i32
        %add3A_138 = arith.addi %multiple_of3A_112, %add3A_137 : i32
        %get3A_139 = arith.index_cast %add3A_138 : i32 to index
        %get3A_140 = tpu.vector_load %arg7[%get3A_139] {strides = array<i32>} : memref<21504xf32, #tpu.memory_space<vmem>>, vector<16xf32>,
        %get3A_141 = vector.shape_cast %get3A_140 : vector<16xf32> to vector<16xf32>
        %get3A_142 = arith.index_cast %add3A_138 : i32 to index
        %get3A_143 = tpu.vector_load %arg6[%get3A_142] {strides = array<i32>} : memref<21504xf32, #tpu.memory_space<vmem>>, vector<16xf32>,
        %get3A_144 = vector.shape_cast %get3A_143 : vector<16xf32> to vector<16xf32>
        %add3A_145 = arith.addf %get3A_141, %get3A_144 : vector<16xf32>
        %swap3A_146 = arith.index_cast %add3A_138 : i32 to index
        %swap3A_147 = tpu.vector_load %arg9[%swap3A_146] {strides = array<i32>} : memref<21504xf32, #tpu.memory_space<vmem>>, vector<16xf32>,
        %swap3A_148 = vector.shape_cast %swap3A_147 : vector<16xf32> to vector<16xf32>
        %swap3A_149 = vector.shape_cast %add3A_145 : vector<16xf32> to vector<16xf32>
        tpu.vector_store %arg9[%swap3A_146], %swap3A_149 {strides = array<i32>} : memref<21504xf32, #tpu.memory_space<vmem>>, vector<16xf32>,
        %add3A_150 = arith.constant 48 : i32
        %add3A_151 = arith.addi %multiple_of3A_112, %add3A_150 : i32
        %get3A_152 = arith.index_cast %add3A_151 : i32 to index
        %get3A_153 = tpu.vector_load %arg7[%get3A_152] {strides = array<i32>} : memref<21504xf32, #tpu.memory_space<vmem>>, vector<16xf32>,
        %get3A_154 = vector.shape_cast %get3A_153 : vector<16xf32> to vector<16xf32>
        %get3A_155 = arith.index_cast %add3A_151 : i32 to index
        %get3A_156 = tpu.vector_load %arg6[%get3A_155] {strides = array<i32>} : memref<21504xf32, #tpu.memory_space<vmem>>, vector<16xf32>,
        %get3A_157 = vector.shape_cast %get3A_156 : vector<16xf32> to vector<16xf32>
        %add3A_158 = arith.addf %get3A_154, %get3A_157 : vector<16xf32>
        %swap3A_159 = arith.index_cast %add3A_151 : i32 to index
        %swap3A_160 = tpu.vector_load %arg9[%swap3A_159] {strides = array<i32>} : memref<21504xf32, #tpu.memory_space<vmem>>, vector<16xf32>,
        %swap3A_161 = vector.shape_cast %swap3A_160 : vector<16xf32> to vector<16xf32>
        %swap3A_162 = vector.shape_cast %add3A_158 : vector<16xf32> to vector<16xf32>
        tpu.vector_store %arg9[%swap3A_159], %swap3A_162 {strides = array<i32>} : memref<21504xf32, #tpu.memory_space<vmem>>, vector<16xf32>,
        %add3A_163 = arith.constant 64 : i32
        %add3A_164 = arith.addi %multiple_of3A_112, %add3A_163 : i32
        %get3A_165 = arith.index_cast %add3A_164 : i32 to index
        %get3A_166 = tpu.vector_load %arg7[%get3A_165] {strides = array<i32>} : memref<21504xf32, #tpu.memory_space<vmem>>, vector<16xf32>,
        %get3A_167 = vector.shape_cast %get3A_166 : vector<16xf32> to vector<16xf32>
        %get3A_168 = arith.index_cast %add3A_164 : i32 to index
        %get3A_169 = tpu.vector_load %arg6[%get3A_168] {strides = array<i32>} : memref<21504xf32, #tpu.memory_space<vmem>>, vector<16xf32>,
        %get3A_170 = vector.shape_cast %get3A_169 : vector<16xf32> to vector<16xf32>
        %add3A_171 = arith.addf %get3A_167, %get3A_170 : vector<16xf32>
        %swap3A_172 = arith.index_cast %add3A_164 : i32 to index
        %swap3A_173 = tpu.vector_load %arg9[%swap3A_172] {strides = array<i32>} : memref<21504xf32, #tpu.memory_space<vmem>>, vector<16xf32>,
        %swap3A_174 = vector.shape_cast %swap3A_173 : vector<16xf32> to vector<16xf32>
        %swap3A_175 = vector.shape_cast %add3A_171 : vector<16xf32> to vector<16xf32>
        tpu.vector_store %arg9[%swap3A_172], %swap3A_175 {strides = array<i32>} : memref<21504xf32, #tpu.memory_space<vmem>>, vector<16xf32>,
        %add3A_176 = arith.constant 80 : i32
        %add3A_177 = arith.addi %multiple_of3A_112, %add3A_176 : i32
        %get3A_178 = arith.index_cast %add3A_177 : i32 to index
        %get3A_179 = tpu.vector_load %arg7[%get3A_178] {strides = array<i32>} : memref<21504xf32, #tpu.memory_space<vmem>>, vector<16xf32>,
        %get3A_180 = vector.shape_cast %get3A_179 : vector<16xf32> to vector<16xf32>
        %get3A_181 = arith.index_cast %add3A_177 : i32 to index
        %get3A_182 = tpu.vector_load %arg6[%get3A_181] {strides = array<i32>} : memref<21504xf32, #tpu.memory_space<vmem>>, vector<16xf32>,
        %get3A_183 = vector.shape_cast %get3A_182 : vector<16xf32> to vector<16xf32>
        %add3A_184 = arith.addf %get3A_180, %get3A_183 : vector<16xf32>
        %swap3A_185 = arith.index_cast %add3A_177 : i32 to index
        %swap3A_186 = tpu.vector_load %arg9[%swap3A_185] {strides = array<i32>} : memref<21504xf32, #tpu.memory_space<vmem>>, vector<16xf32>,
        %swap3A_187 = vector.shape_cast %swap3A_186 : vector<16xf32> to vector<16xf32>
        %swap3A_188 = vector.shape_cast %add3A_184 : vector<16xf32> to vector<16xf32>
        tpu.vector_store %arg9[%swap3A_185], %swap3A_188 {strides = array<i32>} : memref<21504xf32, #tpu.memory_space<vmem>>, vector<16xf32>,
        %add3A_189 = arith.constant 96 : i32
        %add3A_190 = arith.addi %multiple_of3A_112, %add3A_189 : i32
        %get3A_191 = arith.index_cast %add3A_190 : i32 to index
        %get3A_192 = tpu.vector_load %arg7[%get3A_191] {strides = array<i32>} : memref<21504xf32, #tpu.memory_space<vmem>>, vector<16xf32>,
        %get3A_193 = vector.shape_cast %get3A_192 : vector<16xf32> to vector<16xf32>
        %get3A_194 = arith.index_cast %add3A_190 : i32 to index
        %get3A_195 = tpu.vector_load %arg6[%get3A_194] {strides = array<i32>} : memref<21504xf32, #tpu.memory_space<vmem>>, vector<16xf32>,
        %get3A_196 = vector.shape_cast %get3A_195 : vector<16xf32> to vector<16xf32>
        %add3A_197 = arith.addf %get3A_193, %get3A_196 : vector<16xf32>
        %swap3A_198 = arith.index_cast %add3A_190 : i32 to index
        %swap3A_199 = tpu.vector_load %arg9[%swap3A_198] {strides = array<i32>} : memref<21504xf32, #tpu.memory_space<vmem>>, vector<16xf32>,
        %swap3A_200 = vector.shape_cast %swap3A_199 : vector<16xf32> to vector<16xf32>
        %swap3A_201 = vector.shape_cast %add3A_197 : vector<16xf32> to vector<16xf32>
        tpu.vector_store %arg9[%swap3A_198], %swap3A_201 {strides = array<i32>} : memref<21504xf32, #tpu.memory_space<vmem>>, vector<16xf32>,
        %add3A_202 = arith.constant 112 : i32
        %add3A_203 = arith.addi %multiple_of3A_112, %add3A_202 : i32
        %get3A_204 = arith.index_cast %add3A_203 : i32 to index
        %get3A_205 = tpu.vector_load %arg7[%get3A_204] {strides = array<i32>} : memref<21504xf32, #tpu.memory_space<vmem>>, vector<16xf32>,
        %get3A_206 = vector.shape_cast %get3A_205 : vector<16xf32> to vector<16xf32>
        %get3A_207 = arith.index_cast %add3A_203 : i32 to index
        %get3A_208 = tpu.vector_load %arg6[%get3A_207] {strides = array<i32>} : memref<21504xf32, #tpu.memory_space<vmem>>, vector<16xf32>,
        %get3A_209 = vector.shape_cast %get3A_208 : vector<16xf32> to vector<16xf32>
        %add3A_210 = arith.addf %get3A_206, %get3A_209 : vector<16xf32>
        %swap3A_211 = arith.index_cast %add3A_203 : i32 to index
        %swap3A_212 = tpu.vector_load %arg9[%swap3A_211] {strides = array<i32>} : memref<21504xf32, #tpu.memory_space<vmem>>, vector<16xf32>,
        %swap3A_213 = vector.shape_cast %swap3A_212 : vector<16xf32> to vector<16xf32>
        %swap3A_214 = vector.shape_cast %add3A_210 : vector<16xf32> to vector<16xf32>
        tpu.vector_store %arg9[%swap3A_211], %swap3A_214 {strides = array<i32>} : memref<21504xf32, #tpu.memory_space<vmem>>, vector<16xf32>,
      }
      %scan3A_62 = arith.constant 168 : i32
      %add3A_63 = arith.addi %mul3A_11, %add3A_50 : i32
      %mul3A_64 = arith.constant 224 : i32
      %mul3A_65 = arith.muli %add3A_63, %mul3A_64 : i32
      %add3A_66 = arith.addi %mul3A_65, %mul3A_13 : i32
      %mul3A_67 = arith.constant 384 : i32
      %mul3A_68 = arith.muli %add3A_66, %mul3A_67 : i32
      %multiple_of3A_69 = tpu.assume_multiple %mul3A_68, 8 : i32
      %dma_start3A_70 = tpu.memref_slice %arg5[%multiple_of3A_69] : memref<77070336xf32, #tpu.memory_space<hbm>> -> memref<21504xf32, #tpu.memory_space<hbm>>
      %dma_start3A_71 = tpu.memref_slice %arg5[%multiple_of3A_69] : memref<77070336xf32, #tpu.memory_space<hbm>> -> memref<21504xf32, #tpu.memory_space<hbm>>
      tpu.enqueue_dma source(%arg9 : memref<21504xf32, #tpu.memory_space<vmem>>) target(%dma_start3A_71 : memref<21504xf32, #tpu.memory_space<hbm>>) target_semaphore(%arg13 : memref<!tpu.dma_semaphore, #tpu.memory_space<semaphore_mem>>)
      %lt3A = arith.constant 55 : i32
      %lt3A_72 = arith.cmpi slt, %scan3A_46, %lt3A : i32
      %convert_element_type3A_73 = arith.extui %lt3A_72 : i1 to i32
      %cond3A_74 = arith.constant 0 : i32
      %cond3A_75 = arith.cmpi ne, %convert_element_type3A_73, %cond3A_74 : i32
      scf.if %cond3A_75 {
        %add3A_109 = arith.constant 2 : i32
        %add3A_110 = arith.addi %add3A_50, %add3A_109 : i32
        %add3A_111 = arith.addi %mul3A_11, %add3A_110 : i32
        %mul3A_112 = arith.constant 224 : i32
        %mul3A_113 = arith.muli %add3A_111, %mul3A_112 : i32
        %add3A_114 = arith.addi %mul3A_113, %mul3A_13 : i32
        %mul3A_115 = arith.constant 384 : i32
        %mul3A_116 = arith.muli %add3A_114, %mul3A_115 : i32
        %multiple_of3A_117 = tpu.assume_multiple %mul3A_116, 8 : i32
        %dma_start3A_118 = tpu.memref_slice %arg2[%multiple_of3A_117] : memref<77070336xf32, #tpu.memory_space<hbm>> -> memref<21504xf32, #tpu.memory_space<hbm>>
        %dma_start3A_119 = tpu.memref_slice %arg2[%multiple_of3A_117] : memref<77070336xf32, #tpu.memory_space<hbm>> -> memref<21504xf32, #tpu.memory_space<hbm>>
        tpu.enqueue_dma source(%dma_start3A_119 : memref<21504xf32, #tpu.memory_space<hbm>>) target(%arg7 : memref<21504xf32, #tpu.memory_space<vmem>>) target_semaphore(%arg11 : memref<!tpu.dma_semaphore, #tpu.memory_space<semaphore_mem>>)
      } else {
      }
      %mul3A_76 = arith.constant 2 : i32
      %mul3A_77 = arith.muli %scan3A_46, %mul3A_76 : i32
      %add3A_78 = arith.constant 1 : i32
      %add3A_79 = arith.addi %mul3A_77, %add3A_78 : i32
      %dma_wait3A_80 = arith.constant 0 : i32
      %dma_wait3A_81 = tpu.memref_slice %arg2[%dma_wait3A_80] : memref<77070336xf32, #tpu.memory_space<hbm>> -> memref<21504xf32, #tpu.memory_space<hbm>>
      %dma_wait3A_82 = arith.constant 0 : i32
      %dma_wait3A_83 = tpu.memref_slice %arg2[%dma_wait3A_82] : memref<77070336xf32, #tpu.memory_space<hbm>> -> memref<21504xf32, #tpu.memory_space<hbm>>
      tpu.wait_dma2 semaphore(%arg12 : memref<!tpu.dma_semaphore, #tpu.memory_space<semaphore_mem>>) src(%dma_wait3A_83 : memref<21504xf32, #tpu.memory_space<hbm>>) dst(%arg8 : memref<21504xf32, #tpu.memory_space<vmem>>)
      %ge3A_84 = arith.constant 1 : i32
      %ge3A_85 = arith.cmpi sge, %scan3A_46, %ge3A_84 : i32
      %convert_element_type3A_86 = arith.extui %ge3A_85 : i1 to i32
      %cond3A_87 = arith.constant 0 : i32
      %cond3A_88 = arith.cmpi ne, %convert_element_type3A_86, %cond3A_87 : i32
      scf.if %cond3A_88 {
        %dma_wait3A_109 = arith.constant 0 : i32
        %dma_wait3A_110 = tpu.memref_slice %arg5[%dma_wait3A_109] : memref<77070336xf32, #tpu.memory_space<hbm>> -> memref<21504xf32, #tpu.memory_space<hbm>>
        %dma_wait3A_111 = arith.constant 0 : i32
        %dma_wait3A_112 = tpu.memref_slice %arg5[%dma_wait3A_111] : memref<77070336xf32, #tpu.memory_space<hbm>> -> memref<21504xf32, #tpu.memory_space<hbm>>
        tpu.wait_dma2 semaphore(%arg14 : memref<!tpu.dma_semaphore, #tpu.memory_space<semaphore_mem>>) src(%arg10 : memref<21504xf32, #tpu.memory_space<vmem>>) dst(%dma_wait3A_112 : memref<21504xf32, #tpu.memory_space<hbm>>)
      } else {
      }
      %scan3A_89 = arith.constant 0 : i32
      %scan3A_90 = arith.constant 0 : i32
      %scan3A_91 = arith.constant 168 : i32
      %scan3A_92 = arith.addi %scan3A_90, %scan3A_91 : i32
      %scan3A_93 = arith.constant 1 : i32
      scf.for %scan3A_109 = %scan3A_90 to %scan3A_92 step %scan3A_93  : i32 {
        %mul3A_110 = arith.constant 128 : i32
        %mul3A_111 = arith.muli %scan3A_109, %mul3A_110 : i32
        %multiple_of3A_112 = tpu.assume_multiple %mul3A_111, 8 : i32
        %add3A_113 = arith.constant 0 : i32
        %add3A_114 = arith.addi %multiple_of3A_112, %add3A_113 : i32
        %get3A = arith.index_cast %add3A_114 : i32 to index
        %get3A_115 = tpu.vector_load %arg8[%get3A] {strides = array<i32>} : memref<21504xf32, #tpu.memory_space<vmem>>, vector<16xf32>,
        %get3A_116 = vector.shape_cast %get3A_115 : vector<16xf32> to vector<16xf32>
        %get3A_117 = arith.index_cast %add3A_114 : i32 to index
        %get3A_118 = tpu.vector_load %arg6[%get3A_117] {strides = array<i32>} : memref<21504xf32, #tpu.memory_space<vmem>>, vector<16xf32>,
        %get3A_119 = vector.shape_cast %get3A_118 : vector<16xf32> to vector<16xf32>
        %add3A_120 = arith.addf %get3A_116, %get3A_119 : vector<16xf32>
        %swap3A = arith.index_cast %add3A_114 : i32 to index
        %swap3A_121 = tpu.vector_load %arg10[%swap3A] {strides = array<i32>} : memref<21504xf32, #tpu.memory_space<vmem>>, vector<16xf32>,
        %swap3A_122 = vector.shape_cast %swap3A_121 : vector<16xf32> to vector<16xf32>
        %swap3A_123 = vector.shape_cast %add3A_120 : vector<16xf32> to vector<16xf32>
        tpu.vector_store %arg10[%swap3A], %swap3A_123 {strides = array<i32>} : memref<21504xf32, #tpu.memory_space<vmem>>, vector<16xf32>,
        %add3A_124 = arith.constant 16 : i32
        %add3A_125 = arith.addi %multiple_of3A_112, %add3A_124 : i32
        %get3A_126 = arith.index_cast %add3A_125 : i32 to index
        %get3A_127 = tpu.vector_load %arg8[%get3A_126] {strides = array<i32>} : memref<21504xf32, #tpu.memory_space<vmem>>, vector<16xf32>,
        %get3A_128 = vector.shape_cast %get3A_127 : vector<16xf32> to vector<16xf32>
        %get3A_129 = arith.index_cast %add3A_125 : i32 to index
        %get3A_130 = tpu.vector_load %arg6[%get3A_129] {strides = array<i32>} : memref<21504xf32, #tpu.memory_space<vmem>>, vector<16xf32>,
        %get3A_131 = vector.shape_cast %get3A_130 : vector<16xf32> to vector<16xf32>
        %add3A_132 = arith.addf %get3A_128, %get3A_131 : vector<16xf32>
        %swap3A_133 = arith.index_cast %add3A_125 : i32 to index
        %swap3A_134 = tpu.vector_load %arg10[%swap3A_133] {strides = array<i32>} : memref<21504xf32, #tpu.memory_space<vmem>>, vector<16xf32>,
        %swap3A_135 = vector.shape_cast %swap3A_134 : vector<16xf32> to vector<16xf32>
        %swap3A_136 = vector.shape_cast %add3A_132 : vector<16xf32> to vector<16xf32>
        tpu.vector_store %arg10[%swap3A_133], %swap3A_136 {strides = array<i32>} : memref<21504xf32, #tpu.memory_space<vmem>>, vector<16xf32>,
        %add3A_137 = arith.constant 32 : i32
        %add3A_138 = arith.addi %multiple_of3A_112, %add3A_137 : i32
        %get3A_139 = arith.index_cast %add3A_138 : i32 to index
        %get3A_140 = tpu.vector_load %arg8[%get3A_139] {strides = array<i32>} : memref<21504xf32, #tpu.memory_space<vmem>>, vector<16xf32>,
        %get3A_141 = vector.shape_cast %get3A_140 : vector<16xf32> to vector<16xf32>
        %get3A_142 = arith.index_cast %add3A_138 : i32 to index
        %get3A_143 = tpu.vector_load %arg6[%get3A_142] {strides = array<i32>} : memref<21504xf32, #tpu.memory_space<vmem>>, vector<16xf32>,
        %get3A_144 = vector.shape_cast %get3A_143 : vector<16xf32> to vector<16xf32>
        %add3A_145 = arith.addf %get3A_141, %get3A_144 : vector<16xf32>
        %swap3A_146 = arith.index_cast %add3A_138 : i32 to index
        %swap3A_147 = tpu.vector_load %arg10[%swap3A_146] {strides = array<i32>} : memref<21504xf32, #tpu.memory_space<vmem>>, vector<16xf32>,
        %swap3A_148 = vector.shape_cast %swap3A_147 : vector<16xf32> to vector<16xf32>
        %swap3A_149 = vector.shape_cast %add3A_145 : vector<16xf32> to vector<16xf32>
        tpu.vector_store %arg10[%swap3A_146], %swap3A_149 {strides = array<i32>} : memref<21504xf32, #tpu.memory_space<vmem>>, vector<16xf32>,
        %add3A_150 = arith.constant 48 : i32
        %add3A_151 = arith.addi %multiple_of3A_112, %add3A_150 : i32
        %get3A_152 = arith.index_cast %add3A_151 : i32 to index
        %get3A_153 = tpu.vector_load %arg8[%get3A_152] {strides = array<i32>} : memref<21504xf32, #tpu.memory_space<vmem>>, vector<16xf32>,
        %get3A_154 = vector.shape_cast %get3A_153 : vector<16xf32> to vector<16xf32>
        %get3A_155 = arith.index_cast %add3A_151 : i32 to index
        %get3A_156 = tpu.vector_load %arg6[%get3A_155] {strides = array<i32>} : memref<21504xf32, #tpu.memory_space<vmem>>, vector<16xf32>,
        %get3A_157 = vector.shape_cast %get3A_156 : vector<16xf32> to vector<16xf32>
        %add3A_158 = arith.addf %get3A_154, %get3A_157 : vector<16xf32>
        %swap3A_159 = arith.index_cast %add3A_151 : i32 to index
        %swap3A_160 = tpu.vector_load %arg10[%swap3A_159] {strides = array<i32>} : memref<21504xf32, #tpu.memory_space<vmem>>, vector<16xf32>,
        %swap3A_161 = vector.shape_cast %swap3A_160 : vector<16xf32> to vector<16xf32>
        %swap3A_162 = vector.shape_cast %add3A_158 : vector<16xf32> to vector<16xf32>
        tpu.vector_store %arg10[%swap3A_159], %swap3A_162 {strides = array<i32>} : memref<21504xf32, #tpu.memory_space<vmem>>, vector<16xf32>,
        %add3A_163 = arith.constant 64 : i32
        %add3A_164 = arith.addi %multiple_of3A_112, %add3A_163 : i32
        %get3A_165 = arith.index_cast %add3A_164 : i32 to index
        %get3A_166 = tpu.vector_load %arg8[%get3A_165] {strides = array<i32>} : memref<21504xf32, #tpu.memory_space<vmem>>, vector<16xf32>,
        %get3A_167 = vector.shape_cast %get3A_166 : vector<16xf32> to vector<16xf32>
        %get3A_168 = arith.index_cast %add3A_164 : i32 to index
        %get3A_169 = tpu.vector_load %arg6[%get3A_168] {strides = array<i32>} : memref<21504xf32, #tpu.memory_space<vmem>>, vector<16xf32>,
        %get3A_170 = vector.shape_cast %get3A_169 : vector<16xf32> to vector<16xf32>
        %add3A_171 = arith.addf %get3A_167, %get3A_170 : vector<16xf32>
        %swap3A_172 = arith.index_cast %add3A_164 : i32 to index
        %swap3A_173 = tpu.vector_load %arg10[%swap3A_172] {strides = array<i32>} : memref<21504xf32, #tpu.memory_space<vmem>>, vector<16xf32>,
        %swap3A_174 = vector.shape_cast %swap3A_173 : vector<16xf32> to vector<16xf32>
        %swap3A_175 = vector.shape_cast %add3A_171 : vector<16xf32> to vector<16xf32>
        tpu.vector_store %arg10[%swap3A_172], %swap3A_175 {strides = array<i32>} : memref<21504xf32, #tpu.memory_space<vmem>>, vector<16xf32>,
        %add3A_176 = arith.constant 80 : i32
        %add3A_177 = arith.addi %multiple_of3A_112, %add3A_176 : i32
        %get3A_178 = arith.index_cast %add3A_177 : i32 to index
        %get3A_179 = tpu.vector_load %arg8[%get3A_178] {strides = array<i32>} : memref<21504xf32, #tpu.memory_space<vmem>>, vector<16xf32>,
        %get3A_180 = vector.shape_cast %get3A_179 : vector<16xf32> to vector<16xf32>
        %get3A_181 = arith.index_cast %add3A_177 : i32 to index
        %get3A_182 = tpu.vector_load %arg6[%get3A_181] {strides = array<i32>} : memref<21504xf32, #tpu.memory_space<vmem>>, vector<16xf32>,
        %get3A_183 = vector.shape_cast %get3A_182 : vector<16xf32> to vector<16xf32>
        %add3A_184 = arith.addf %get3A_180, %get3A_183 : vector<16xf32>
        %swap3A_185 = arith.index_cast %add3A_177 : i32 to index
        %swap3A_186 = tpu.vector_load %arg10[%swap3A_185] {strides = array<i32>} : memref<21504xf32, #tpu.memory_space<vmem>>, vector<16xf32>,
        %swap3A_187 = vector.shape_cast %swap3A_186 : vector<16xf32> to vector<16xf32>
        %swap3A_188 = vector.shape_cast %add3A_184 : vector<16xf32> to vector<16xf32>
        tpu.vector_store %arg10[%swap3A_185], %swap3A_188 {strides = array<i32>} : memref<21504xf32, #tpu.memory_space<vmem>>, vector<16xf32>,
        %add3A_189 = arith.constant 96 : i32
        %add3A_190 = arith.addi %multiple_of3A_112, %add3A_189 : i32
        %get3A_191 = arith.index_cast %add3A_190 : i32 to index
        %get3A_192 = tpu.vector_load %arg8[%get3A_191] {strides = array<i32>} : memref<21504xf32, #tpu.memory_space<vmem>>, vector<16xf32>,
        %get3A_193 = vector.shape_cast %get3A_192 : vector<16xf32> to vector<16xf32>
        %get3A_194 = arith.index_cast %add3A_190 : i32 to index
        %get3A_195 = tpu.vector_load %arg6[%get3A_194] {strides = array<i32>} : memref<21504xf32, #tpu.memory_space<vmem>>, vector<16xf32>,
        %get3A_196 = vector.shape_cast %get3A_195 : vector<16xf32> to vector<16xf32>
        %add3A_197 = arith.addf %get3A_193, %get3A_196 : vector<16xf32>
        %swap3A_198 = arith.index_cast %add3A_190 : i32 to index
        %swap3A_199 = tpu.vector_load %arg10[%swap3A_198] {strides = array<i32>} : memref<21504xf32, #tpu.memory_space<vmem>>, vector<16xf32>,
        %swap3A_200 = vector.shape_cast %swap3A_199 : vector<16xf32> to vector<16xf32>
        %swap3A_201 = vector.shape_cast %add3A_197 : vector<16xf32> to vector<16xf32>
        tpu.vector_store %arg10[%swap3A_198], %swap3A_201 {strides = array<i32>} : memref<21504xf32, #tpu.memory_space<vmem>>, vector<16xf32>,
        %add3A_202 = arith.constant 112 : i32
        %add3A_203 = arith.addi %multiple_of3A_112, %add3A_202 : i32
        %get3A_204 = arith.index_cast %add3A_203 : i32 to index
        %get3A_205 = tpu.vector_load %arg8[%get3A_204] {strides = array<i32>} : memref<21504xf32, #tpu.memory_space<vmem>>, vector<16xf32>,
        %get3A_206 = vector.shape_cast %get3A_205 : vector<16xf32> to vector<16xf32>
        %get3A_207 = arith.index_cast %add3A_203 : i32 to index
        %get3A_208 = tpu.vector_load %arg6[%get3A_207] {strides = array<i32>} : memref<21504xf32, #tpu.memory_space<vmem>>, vector<16xf32>,
        %get3A_209 = vector.shape_cast %get3A_208 : vector<16xf32> to vector<16xf32>
        %add3A_210 = arith.addf %get3A_206, %get3A_209 : vector<16xf32>
        %swap3A_211 = arith.index_cast %add3A_203 : i32 to index
        %swap3A_212 = tpu.vector_load %arg10[%swap3A_211] {strides = array<i32>} : memref<21504xf32, #tpu.memory_space<vmem>>, vector<16xf32>,
        %swap3A_213 = vector.shape_cast %swap3A_212 : vector<16xf32> to vector<16xf32>
        %swap3A_214 = vector.shape_cast %add3A_210 : vector<16xf32> to vector<16xf32>
        tpu.vector_store %arg10[%swap3A_211], %swap3A_214 {strides = array<i32>} : memref<21504xf32, #tpu.memory_space<vmem>>, vector<16xf32>,
      }
      %scan3A_94 = arith.constant 168 : i32
      %add3A_95 = arith.addi %mul3A_11, %add3A_79 : i32
      %mul3A_96 = arith.constant 224 : i32
      %mul3A_97 = arith.muli %add3A_95, %mul3A_96 : i32
      %add3A_98 = arith.addi %mul3A_97, %mul3A_13 : i32
      %mul3A_99 = arith.constant 384 : i32
      %mul3A_100 = arith.muli %add3A_98, %mul3A_99 : i32
      %multiple_of3A_101 = tpu.assume_multiple %mul3A_100, 8 : i32
      %dma_start3A_102 = tpu.memref_slice %arg5[%multiple_of3A_101] : memref<77070336xf32, #tpu.memory_space<hbm>> -> memref<21504xf32, #tpu.memory_space<hbm>>
      %dma_start3A_103 = tpu.memref_slice %arg5[%multiple_of3A_101] : memref<77070336xf32, #tpu.memory_space<hbm>> -> memref<21504xf32, #tpu.memory_space<hbm>>
      tpu.enqueue_dma source(%arg10 : memref<21504xf32, #tpu.memory_space<vmem>>) target(%dma_start3A_103 : memref<21504xf32, #tpu.memory_space<hbm>>) target_semaphore(%arg14 : memref<!tpu.dma_semaphore, #tpu.memory_space<semaphore_mem>>)
      %lt3A_104 = arith.constant 55 : i32
      %lt3A_105 = arith.cmpi slt, %scan3A_46, %lt3A_104 : i32
      %convert_element_type3A_106 = arith.extui %lt3A_105 : i1 to i32
      %cond3A_107 = arith.constant 0 : i32
      %cond3A_108 = arith.cmpi ne, %convert_element_type3A_106, %cond3A_107 : i32
      scf.if %cond3A_108 {
        %add3A_109 = arith.constant 2 : i32
        %add3A_110 = arith.addi %add3A_79, %add3A_109 : i32
        %add3A_111 = arith.addi %mul3A_11, %add3A_110 : i32
        %mul3A_112 = arith.constant 224 : i32
        %mul3A_113 = arith.muli %add3A_111, %mul3A_112 : i32
        %add3A_114 = arith.addi %mul3A_113, %mul3A_13 : i32
        %mul3A_115 = arith.constant 384 : i32
        %mul3A_116 = arith.muli %add3A_114, %mul3A_115 : i32
        %multiple_of3A_117 = tpu.assume_multiple %mul3A_116, 8 : i32
        %dma_start3A_118 = tpu.memref_slice %arg2[%multiple_of3A_117] : memref<77070336xf32, #tpu.memory_space<hbm>> -> memref<21504xf32, #tpu.memory_space<hbm>>
        %dma_start3A_119 = tpu.memref_slice %arg2[%multiple_of3A_117] : memref<77070336xf32, #tpu.memory_space<hbm>> -> memref<21504xf32, #tpu.memory_space<hbm>>
        tpu.enqueue_dma source(%dma_start3A_119 : memref<21504xf32, #tpu.memory_space<hbm>>) target(%arg8 : memref<21504xf32, #tpu.memory_space<vmem>>) target_semaphore(%arg12 : memref<!tpu.dma_semaphore, #tpu.memory_space<semaphore_mem>>)
      } else {
      }
    }
    %scan3A_38 = arith.constant 56 : i32
    %dma_wait3A = arith.constant 0 : i32
    %dma_wait3A_39 = tpu.memref_slice %arg5[%dma_wait3A] : memref<77070336xf32, #tpu.memory_space<hbm>> -> memref<21504xf32, #tpu.memory_space<hbm>>
    %dma_wait3A_40 = arith.constant 0 : i32
    %dma_wait3A_41 = tpu.memref_slice %arg5[%dma_wait3A_40] : memref<77070336xf32, #tpu.memory_space<hbm>> -> memref<21504xf32, #tpu.memory_space<hbm>>
    tpu.wait_dma2 semaphore(%arg13 : memref<!tpu.dma_semaphore, #tpu.memory_space<semaphore_mem>>) src(%arg9 : memref<21504xf32, #tpu.memory_space<vmem>>) dst(%dma_wait3A_41 : memref<21504xf32, #tpu.memory_space<hbm>>)
    %dma_wait3A_42 = arith.constant 0 : i32
    %dma_wait3A_43 = tpu.memref_slice %arg5[%dma_wait3A_42] : memref<77070336xf32, #tpu.memory_space<hbm>> -> memref<21504xf32, #tpu.memory_space<hbm>>
    %dma_wait3A_44 = arith.constant 0 : i32
    %dma_wait3A_45 = tpu.memref_slice %arg5[%dma_wait3A_44] : memref<77070336xf32, #tpu.memory_space<hbm>> -> memref<21504xf32, #tpu.memory_space<hbm>>
    tpu.wait_dma2 semaphore(%arg14 : memref<!tpu.dma_semaphore, #tpu.memory_space<semaphore_mem>>) src(%arg10 : memref<21504xf32, #tpu.memory_space<vmem>>) dst(%dma_wait3A_45 : memref<21504xf32, #tpu.memory_space<hbm>>)
    return
  }
}

</mosaic_0001>

<sc_bundles>
// kernel: kernel.3.cloned.1.call-start
scs
__scs_entry_jumppad:
0x0: {  	(pc) =	sbr.rel $0x88, $3  }
0x1: {  	(tag) =	ssettag $0x0;
	lr =	simm.s32 $0x1  }
0x2: {  	[smem:$0x3F9E] =	sst lr;
	_ =	strace $0xD0000000  }
0x3: {  	_ = 	snop  }
0x4: {  	_ = 	snop  }
0x5: {  	_ = 	snop  }
0x6: {  	_ = 	snop  }
0x7: {  	_ = 	snop  }
__scs_overlays_trampoline_lowered:
0x8: {  	[smem:$0x3FAD] =	sst s0  }
0x9: {  	[smem:$0x3FAE] =	sst s1  }
0xa: {  	[smem:$0x3FAF] =	sst s2  }
0xb: {  	[smem:$0x3FB0] =	sst s3  }
0xc: {  	[smem:$0x3FB1] =	sst s4  }
0xd: {  	[smem:$0x3FB2] =	sst s5  }
0xe: {  	[smem:$0x3FB3] =	sst s6  }
0xf: {  	[smem:$0x3FB4] =	sst s7  }
0x10: {  	[smem:$0x3FB5] =	sst s8  }
0x11: {  	[smem:$0x3FB6] =	sst s9;
	s0 =	simm.s32 @!p0 $0x0  }
0x12: {  	s1 =	sld [smem:$0x3F9C];
	s0 =	simm.s32 @p0 $0x1  }
0x13: {  	[smem:$0x3FB7] =	sst s0;
	s0 =	simm.s32 @!p1 $0x0  }
0x14: {  	s2 =	sld [smem:$0x3F9B];
	s0 =	simm.s32 @p1 $0x1  }
0x15: {  	[smem:$0x3FB8] =	sst s0;
	s0 =	simm.s32 @!p2 $0x0  }
0x16: {  	s3 =	sld [smem:$0x3FDB];
	s0 =	simm.s32 @p2 $0x1  }
0x17: {  	s4 =	simm.s32 $0x1BF5;
	[smem:$0x3FBA] =	sst s0  }
0x18: {  	s0 =	sld [smem:$0x3F9D];
	_ =	swait.ge [sflag:s4], $0x0  }
0x19: {  	s7 =	sld [smem:$0x3F9E]  }
0x1a: {  	s8 =	sadd.s32 $0xFFFFE003, lr  }
0x1b: {  	s9 =	sadd.s32 $0xFFFFFEF7, lr;
	s5 =	simm.s32 $0xFFFFFFFF;
	p2 =	slt.u32 s8, $0xFFFFF086  }
0x1c: {  	p1 =	slt.u32 s9, $0xF7A;
	s5 =	simm.s32 @!p2 $0x0  }
0x1d: {  	s5 =	simm.s32 @p1 $0x1;
	p0 =	seq.s32 s7, s2  }
0x1e: {  	s7 =	smul.u32 @!p0 $0xF7A, s2;
	p2 =	seq.s32 @!p0 s5, $0x0  }
0x1f: {  	s9 =	smul.u32 $0xF7A, s1;
	s8 =	simm.s32 @!p0 $0x1BF5;
	p2 =	por !p2, p0  }
0x20: {  	[sflag:s8] =	ssyncset.s32 @!p0 $0xFFFFF086;
	s6 =	sadd.s32 @!p0 s3, s7;
	s7 =	simm.s32 @!p0 $0x108  }
0x21: {  	s3 =	sadd.s32 s3, s9;
	s6 =	sadd.s32 @!p0 $0x88, s6;
	s7 =	simm.s32 @p2 $0x1082  }
0x22: {  	[simem:s7], [sflag:s8] =	dma.local @!p0 [hbm:s6], $0xF7A  }
0x23: {  	s9 =	sor.u32 $0xD0000000, s2;
	s6 =	simm.s32 $0x108;
	_ =	swait.ge @!p0 [sflag:s8], $0x0  }
0x24: {  	s3 =	sadd.s32 $0x88, s3;
	s6 =	simm.s32 @!p1 $0x1082;
	[sflag:s4] =	ssyncset.s32 $0xFFFFF086  }
0x25: {  	[simem:s6], [sflag:s4] =	dma.local [hbm:s3], $0xF7A  }
0x26: {  	[smem:$0x3F9E] =	sst s1;
	(tag) =	ssettag s2;
	_ =	strace s9  }
0x27: {  	s1 =	sld [smem:$0x3FAE]  }
0x28: {  	s2 =	sld [smem:$0x3FAF]  }
0x29: {  	s4 =	sld [smem:$0x3FB1]  }
0x2a: {  	p0 =	seq.s32 s5, $0x0;
	s5 =	sld [smem:$0x3FB2]  }
0x2b: {  	s6 =	sld [smem:$0x3FB3]  }
0x2c: {  	s7 =	sld [smem:$0x3FB4]  }
0x2d: {  	s3 =	simm.s32 $0x108;
	s8 =	sld [smem:$0x3FB5]  }
0x2e: {  	s3 =	simm.s32 @!p0 $0x1082;
	s9 =	sld [smem:$0x3FB6]  }
0x2f: {  	lr =	sadd.s32 s0, s3;
	s0 =	sld [smem:$0x3FAD]  }
0x30: {  	s3 =	sld [smem:$0x3FB0]  }
0x31: {  	[smem:$0x3FB9] =	sst s10  }
0x32: {  	s10 =	sld [smem:$0x3FB7];
	_ =	sdelay $0x3  }
0x33: {  	p0 =	seq.s32 s10, $0x1;
	s10 =	sld [smem:$0x3FB9];
	_ =	sdelay $0x3  }
0x34: {  	[smem:$0x3FB9] =	sst s10  }
0x35: {  	s10 =	sld [smem:$0x3FB8];
	_ =	sdelay $0x3  }
0x36: {  	p1 =	seq.s32 s10, $0x1;
	s10 =	sld [smem:$0x3FB9];
	_ =	sdelay $0x3  }
0x37: {  	[smem:$0x3FB9] =	sst s10  }
0x38: {  	s10 =	sld [smem:$0x3FBA]  }
0x39: {  	_ = 	snop;
	(pc) =	sbr.ind lr, $3  }
0x3a: {  	_ = 	snop  }
0x3b: {  	_ = 	snop  }
0x3c: {  	p2 =	seq.s32 s10, $0x1;
	s10 =	sld [smem:$0x3FB9]  }
0x3d: {  	_ =	shalt  }
0x3e: {  	_ =	shalt  }
0x3f: {  	_ =	shalt  }
0x40: {  	_ =	shalt  }
0x41: {  	_ =	shalt  }
0x42: {  	_ =	shalt  }
0x43: {  	_ =	shalt  }
0x44: {  	_ =	shalt  }
0x45: {  	_ =	shalt  }
0x46: {  	_ =	shalt  }
0x47: {  	_ =	shalt  }
0x48: {  	_ =	shalt  }
0x49: {  	_ =	shalt  }
0x4a: {  	_ =	shalt  }
0x4b: {  	_ =	shalt  }
0x4c: {  	_ =	shalt  }
0x4d: {  	_ =	shalt  }
0x4e: {  	_ =	shalt  }
0x4f: {  	_ =	shalt  }
0x50: {  	_ =	shalt  }
0x51: {  	_ =	shalt  }
0x52: {  	_ =	shalt  }
0x53: {  	_ =	shalt  }
0x54: {  	_ =	shalt  }
0x55: {  	_ =	shalt  }
0x56: {  	_ =	shalt  }
0x57: {  	_ =	shalt  }
0x58: {  	_ =	shalt  }
0x59: {  	_ =	shalt  }
0x5a: {  	_ =	shalt  }
0x5b: {  	_ =	shalt  }
0x5c: {  	_ =	shalt  }
0x5d: {  	_ =	shalt  }
0x5e: {  	_ =	shalt  }
0x5f: {  	_ =	shalt  }
0x60: {  	_ =	shalt  }
0x61: {  	_ =	shalt  }
0x62: {  	_ =	shalt  }
0x63: {  	_ =	shalt  }
0x64: {  	_ =	shalt  }
0x65: {  	_ =	shalt  }
0x66: {  	_ =	shalt  }
0x67: {  	_ =	shalt  }
0x68: {  	_ =	shalt  }
0x69: {  	_ =	shalt  }
0x6a: {  	_ =	shalt  }
0x6b: {  	_ =	shalt  }
0x6c: {  	_ =	shalt  }
0x6d: {  	_ =	shalt  }
0x6e: {  	_ =	shalt  }
0x6f: {  	_ =	shalt  }
0x70: {  	_ =	shalt  }
0x71: {  	_ =	shalt  }
0x72: {  	_ =	shalt  }
0x73: {  	_ =	shalt  }
0x74: {  	_ =	shalt  }
0x75: {  	_ =	shalt  }
0x76: {  	_ =	shalt  }
0x77: {  	_ =	shalt  }
0x78: {  	_ =	shalt  }
0x79: {  	_ =	shalt  }
0x7a: {  	_ =	shalt  }
0x7b: {  	_ =	shalt  }
0x7c: {  	_ =	shalt  }
0x7d: {  	_ =	shalt  }
0x7e: {  	_ =	shalt  }
0x7f: {  	_ =	shalt  }
0x80: {  	_ =	shalt  }
0x81: {  	_ =	shalt  }
0x82: {  	_ =	shalt  }
0x83: {  	_ =	shalt  }
0x84: {  	_ =	shalt  }
0x85: {  	_ =	shalt  }
0x86: {  	_ =	shalt  }
0x87: {  	_ =	shalt  }
.Lfunc_end0:
.L_simem_size_0:
called_computation_lowered:
.L_overlay_start_0:
0x88: {  	s2 =	sld [smem:$0x3FD9]  }
0x89: {  	s3 =	sld [smem:$0x3FFE];
	_ =	sdelay $0x1  }
0x8a: {  	s1 =	srdreg.scid  }
0x8b: {  	s0 =	sand.u32 $0x1, s1  }
0x8c: {  	s17 =	sshll.u32 s0, $0xA;
	s2 =	sadd.s32 s3, s2  }
0x8d: {  	s2 =	sadd.s32 s2, s17  }
0x8e: {  	[smem:$0x3FC5] =	sst s2  }
0x8f: {  	_ = 	snop  }
0x90: {  	s2 =	sld [smem:$0x3FD0];
	(tm) =	ssettm $0x1  }
0x91: {  	s18 =	sld [smem:$0x3FFB];
	_ =	sdelay $0x3  }
0x92: {  	_ =	strace s18  }
0x93: {  	s3 =	sld [smem:$0x3FFC];
	_ =	sdelay $0x3  }
0x94: {  	_ =	strace s3  }
0x95: {  	s3 =	sld [smem:$0x3FFD];
	_ =	sdelay $0x3  }
0x96: {  	_ =	strace s3  }
0x97: {  	_ =	strace $0x8FFFFFFF  }
0x98: {  	s19 =	sld [smem:$0x3FDB];
	_ =	sdelay $0x1  }
0x99: {  	s4 =	simm.s32 $_scs_section_size  }
0x9a: {  	s5 =	simm.s32 $_size__tile_overlayer_lowered;
	s6 =	simm.s32 $_tile_overlayer_lowered  }
0x9b: {  	s22 =	simm.s32 $0x1BFF;
	s21 =	sshll.u32 s6, $0x1;
	s3 =	sadd.s32 s4, s19  }
0x9c: {  	s7 =	simm.s32 $0x0;
	s20 =	sshll.u32 s5, $0x1;
	s5 =	sadd.s32 s21, s3  }
0x9d: {  	[timem:s7], [sflag:s22] =	dma.local [hbm:s5], s20  }
0x9e: {  	_ =	swait.ge [sflag:s22], s20  }
0x9f: {  	s4 =	ssub.s32 $0x0, s20;
	[sflag:s22] =	ssyncset.done $0x0  }
0xa0: {  	[sflag:s22] =	ssyncadd.s32 s4;
	_ =	sdelay $0x1  }
0xa1: {  	s23 =	simm.s32 $0x1B8B  }
0xa2: {  	_ =	swait.ge [sflag:s23], $0x1  }
0xa3: {  	[sflag:s23] =	ssyncset.done $0x0  }
0xa4: {  	s25 =	simm.s32 $0x1B8E;
	s24 =	sld [smem:$0x3FFE];
	[sflag:s23] =	ssyncadd.s32 $0xFFFFFFFF  }
0xa5: {  	s26 =	simm.s32 $execute0_lowered;
	[smem:$0x3FD2] =	sst s25  }
0xa6: {  	s5 =	sshll.u32 s26, $0x1;
	_ =	strace $0x80000046;
	[dreg:$0x1] =	wrdreg $0xFFFFFFFF  }
0xa7: {  	s28 =	simm.s32 $_size_execute0_lowered;
	s3 =	sadd.s32 s3, s5;
	[dreg:$0x0] =	wrdreg $0x0  }
0xa8: {  	s5 =	sshll.u32 s28, $0x1;
	[dreg:$0x2] =	wrdreg s3  }
0xa9: {  	[dreg:$0x3] =	wrdreg s5  }
0xaa: {  	[dreg:$0x4] =	wrdreg $0xC0  }
0xab: {  	_ =	task [dreg:s7], $0x5FFFF  }
0xac: {  	[dreg:$0x1] =	wrdreg $0xFFFFFFFF  }
0xad: {  	[dreg:$0x0] =	wrdreg $0x60  }
0xae: {  	[dreg:$0x2] =	wrdreg s2  }
0xaf: {  	[dreg:$0x3] =	wrdreg s24  }
0xb0: {  	[dreg:$0x4] =	wrdreg $0x9  }
0xb1: {  	_ =	task.clear_ibuf [dreg:s7], $0x5FFFF;
	_ =	strace $0x90000046  }
0xb2: {  	s29 =	simm.s32 $0x9;
	_ =	strace $0x80000048  }
0xb3: {  	_ =	swait.ge [sflag:s29], $0x1  }
0xb4: {  	[sflag:s29] =	ssyncadd.s32 $0xFFFFFFFF  }
0xb5: {  	_ =	strace $0x90000048  }
0xb6: {  	_ =	sfence  }
0xb7: {  	s30 =	sld [smem:$0x0];
	_ =	sdelay $0x2  }
0xb8: {  	s31 =	sshll.u32 s1, $0xD;
	s1 =	sshrl.u32 s1, $0x2  }
0xb9: {  	s3 =	sand.u32 $0x4000, s31;
	s1 =	sadd.s32 s1, s30  }
0xba: {  	s0 =	sor.u32 s3, s0;
	s1 =	sshll.u32 s1, $0x11  }
0xbb: {  	s0 =	sor.u32 s1, s0  }
0xbc: {  	s0 =	sadd.s32 $0x8F2B, s0  }
0xbd: {  	[sflag:s0] =	ssyncadd.remote.s32 $0x1  }
0xbe: {  	_ =	sfence.sel $0xFFFF  }
0xbf: {  	[dreg:$0x0] =	wrdreg $0xFFFFFFFF;
	(pc) =	sbr.abs _section_cstart, $3  }
0xc0: {  	[dreg:$0x1] =	wrdreg $0xFFFFFFFF  }
0xc1: {  	_ =	task.clear_ibuf [dreg:s7], $0x2FFFF;
	_ =	strace $0x9FFFFFFF  }
0xc2: {  	(tm) =	ssettm $0x7FFFFFFF  }
0xc3: {  	_ =	shalt  }
tec
execute0_lowered:
.L_overlay_start_1:
0x0: {  	(tag) =	ssettag $0x1  }
0x1: {  	s0 =	stileid.u32;
	s1 =	srdreg.scid  }
0x2: {  	s8 =	rddreg [dreg:$0x1];
	s4 =	simm.s32 $0x0;
	s15 =	simm.s32 $0x5  }
0x3: {  	s16 =	simm.s32 $0x7E00;
	s17 =	simm.s32 $0x5400;
	s18 =	simm.s32 $0xA800  }
0x4: {  	s19 =	simm.s32 $0x1;
	s20 =	simm.s32 $0xFC00;
	s2 =	sshll.u32 s0, $0x1  }
0x5: {  	s21 =	simm.s32 $0x2;
	s5 =	sand.u32 $0x1, s1;
	s30 =	sand.u32 $0x2, s2  }
0x6: {  	s22 =	simm.s32 $0x4;
	s23 =	simm.s32 $0x15000;
	s6 =	sor.u32 s5, s30  }
0x7: {  	s24 =	simm.s32 $0x3;
	s1 =	rddreg [dreg:$0x2];
	s3 =	smul.u32 $0x38, s6  }
0x8: {  	s7 =	sshrl.u32 s0, $0x1;
	[smem:$0x7FF] =	sst s4;
	s6 =	smul.u32 $0x540, s6  }
0x9: {  	s25 =	simm.s32 $0x0;
	s2 =	rddreg [dreg:$0x0];
	s9 =	smul.u32 $0x6200, s7  }
0xa: {  	s10 =	ssub.s32 $0x2, s5;
	s11 =	sadd.s32 s6, s8;
	s6 =	smul.u32 $0x70, s7  }
.Ltmp0:
0xb: {  	s31 =	sshrl.u32 s10, $0x1;
	s9 =	sor.u32 s9, s3;
	(pc) =	sbr.rel .LBB2_1-.Ltmp0, $4  }
0xc: {  	_ =	strace $0x80000047;
	s14 =	ssub.s32 s10, s31;
	s9 =	smul.u32 $0x30, s9  }
0xd: {  	s5 =	sadd.s32 $0x3000, s8;
	s14 =	smax.u32 s14, $0x1;
	s8 =	sadd.s32 $0x400, s11  }
0xe: {  	s12 =	sor.u32 $0x1, s6;
	s13 =	sor.u32 $0x3, s6;
	s7 =	sadd.s32 s2, s9  }
0xf: {  	s9 =	sadd.s32 $0x1A00, s11;
	s11 =	sor.u32 $0x2, s6;
	s10 =	sadd.s32 $0x2A00, s7  }
.LBB2_14:
0x10: {  	s25 =	sadd.s32 $0x1, s25  }
0x11: {  	_ =	swait.ge [sflag:s24], $0x5400;
	p0 =	sne.s32 s25, s14  }
.Ltmp1:
0x12: {  	[sflag:s24] =	ssyncset.done $0x0;
	(pc) =	sbr.rel @!p0 .LBB2_15-.Ltmp1, $4  }
0x13: {  	[sflag:s24] =	ssyncadd.s32 $0xFFFFAC00  }
0x14: {  	_ =	swait.ge [sflag:s22], $0x5400  }
0x15: {  	[sflag:s22] =	ssyncset.done $0x0  }
0x16: {  	[sflag:s22] =	ssyncadd.s32 $0xFFFFAC00  }
.LBB2_1:
0x17: {  	[tilespmem:s17], [sflag:$0x5] =	stream.linear.gather [hbm4b:s8+s4], $0x2A00, $0x38;
	[tilespmem:$0x1A400] =	vst v63  }
0x18: {  	_ =	swait.ge [sflag:s15], $0x2A00  }
0x19: {  	[sflag:s15] =	ssyncset.done $0x0  }
0x1a: {  	[sflag:s15] =	ssyncadd.s32 $0xFFFFD600  }
0x1b: {  	[tilespmem:s16], [sflag:$0x5] =	stream.linear.gather [hbm4b:s9+s4], $0x2A00, $0x38;
	[tilespmem:$0x1A400] =	vst v63  }
0x1c: {  	_ =	swait.ge [sflag:s15], $0x2A00  }
0x1d: {  	[sflag:s15] =	ssyncset.done $0x0  }
0x1e: {  	[sflag:s15] =	ssyncadd.s32 $0xFFFFD600  }
0x1f: {  	v0 =	vld [tilespmem:s17+$0x0];
	_ =	sdelay $0x3  }
0x20: {  	s26 =	simm.s32 $0xC0  }
0x21: {  	[tilespmem:s26+$0xFFFFFF40] =	vst v0  }
0x22: {  	v0 =	vld [tilespmem:s17+$0x10];
	_ =	sdelay $0x4  }
0x23: {  	[tilespmem:s26+$0xFFFFFF50] =	vst v0  }
0x24: {  	v0 =	vld [tilespmem:s17+$0x20];
	_ =	sdelay $0x4  }
0x25: {  	[tilespmem:s26+$0xFFFFFF60] =	vst v0  }
0x26: {  	v0 =	vld [tilespmem:s17+$0x30];
	_ =	sdelay $0x4  }
0x27: {  	[tilespmem:s26+$0xFFFFFF70] =	vst v0  }
0x28: {  	v0 =	vld [tilespmem:s17+$0x40];
	_ =	sdelay $0x4  }
0x29: {  	[tilespmem:s26+$0xFFFFFF80] =	vst v0  }
0x2a: {  	v0 =	vld [tilespmem:s17+$0x50];
	_ =	sdelay $0x4  }
0x2b: {  	[tilespmem:s26+$0xFFFFFF90] =	vst v0  }
0x2c: {  	v0 =	vld [tilespmem:s17+$0x60];
	_ =	sdelay $0x4  }
0x2d: {  	[tilespmem:s26+$0xFFFFFFA0] =	vst v0  }
0x2e: {  	v0 =	vld [tilespmem:s17+$0x70];
	_ =	sdelay $0x4  }
0x2f: {  	s28 =	sand.u32 $0x3FC0, s4;
	[tilespmem:s26+$0xFFFFFFB0] =	vst v0  }
0x30: {  	v0 =	vld [tilespmem:s28+$0x5480];
	_ =	sdelay $0x4  }
0x31: {  	[tilespmem:s26+$0xFFFFFFC0] =	vst v0  }
0x32: {  	v0 =	vld [tilespmem:s17+$0x90];
	_ =	sdelay $0x4  }
0x33: {  	[tilespmem:s26+$0xFFFFFFD0] =	vst v0  }
0x34: {  	v0 =	vld [tilespmem:s17+$0xA0];
	_ =	sdelay $0x4  }
0x35: {  	[tilespmem:s26+$0xFFFFFFE0] =	vst v0  }
0x36: {  	v0 =	vld [tilespmem:s17+$0xB0];
	_ =	sdelay $0x4  }
0x37: {  	[tilespmem:s26+$0xFFFFFFF0] =	vst v0  }
0x38: {  	v0 =	vld [tilespmem:s28+$0x7E00];
	_ =	sdelay $0x4  }
0x39: {  	[tilespmem:s26+$0x0] =	vst v0  }
0x3a: {  	v0 =	vld [tilespmem:s17+$0x2A10];
	_ =	sdelay $0x4  }
0x3b: {  	[tilespmem:s26+$0x10] =	vst v0  }
0x3c: {  	v0 =	vld [tilespmem:s17+$0x2A20];
	_ =	sdelay $0x4  }
0x3d: {  	[tilespmem:s26+$0x20] =	vst v0  }
0x3e: {  	v0 =	vld [tilespmem:s17+$0x2A30];
	_ =	sdelay $0x4  }
0x3f: {  	[tilespmem:s26+$0x30] =	vst v0  }
0x40: {  	v0 =	vld [tilespmem:s17+$0x2A40];
	_ =	sdelay $0x4  }
0x41: {  	[tilespmem:s26+$0x40] =	vst v0  }
0x42: {  	v0 =	vld [tilespmem:s17+$0x2A50];
	_ =	sdelay $0x4  }
0x43: {  	[tilespmem:s26+$0x50] =	vst v0  }
0x44: {  	v0 =	vld [tilespmem:s17+$0x2A60];
	_ =	sdelay $0x4  }
0x45: {  	[tilespmem:s26+$0x60] =	vst v0  }
0x46: {  	v0 =	vld [tilespmem:s17+$0x2A70];
	_ =	sdelay $0x4  }
0x47: {  	[tilespmem:s26+$0x70] =	vst v0  }
0x48: {  	v0 =	vld [tilespmem:s28+$0x7E80];
	_ =	sdelay $0x4  }
0x49: {  	[tilespmem:s26+$0x80] =	vst v0  }
0x4a: {  	v0 =	vld [tilespmem:s17+$0x2A90];
	_ =	sdelay $0x4  }
0x4b: {  	[tilespmem:s26+$0x90] =	vst v0  }
0x4c: {  	v0 =	vld [tilespmem:s17+$0x2AA0];
	_ =	sdelay $0x4  }
0x4d: {  	[tilespmem:s26+$0xA0] =	vst v0  }
0x4e: {  	v0 =	vld [tilespmem:s17+$0x2AB0];
	_ =	sdelay $0x4  }
0x4f: {  	s28 =	simm.s32 $0x54C0;
	[tilespmem:s26+$0xB0] =	vst v0  }
0x50: {  	s29 =	simm.s32 $0xC0;
	s30 =	simm.s32 $0x180;
	v0 =	vld [tilespmem:s28+$0x0]  }
.LBB2_2:
0x51: {  	p0 =	sne.s32 s30, $0x2940;
	_ =	sdelay $0x2  }
0x52: {  	s26 =	sadd.s32 $0x180, s26  }
0x53: {  	[tilespmem:s26+$0xFFFFFF40] =	vst v0  }
0x54: {  	v0 =	vld [tilespmem:s28+$0x10];
	_ =	sdelay $0x4  }
0x55: {  	[tilespmem:s26+$0xFFFFFF50] =	vst v0  }
0x56: {  	v0 =	vld [tilespmem:s28+$0x20];
	_ =	sdelay $0x4  }
0x57: {  	[tilespmem:s26+$0xFFFFFF60] =	vst v0  }
0x58: {  	v0 =	vld [tilespmem:s28+$0x30];
	_ =	sdelay $0x4  }
0x59: {  	[tilespmem:s26+$0xFFFFFF70] =	vst v0  }
0x5a: {  	v0 =	vld [tilespmem:s28+$0x40];
	_ =	sdelay $0x4  }
0x5b: {  	[tilespmem:s26+$0xFFFFFF80] =	vst v0  }
0x5c: {  	v0 =	vld [tilespmem:s28+$0x50];
	_ =	sdelay $0x4  }
0x5d: {  	[tilespmem:s26+$0xFFFFFF90] =	vst v0  }
0x5e: {  	v0 =	vld [tilespmem:s28+$0x60];
	_ =	sdelay $0x4  }
0x5f: {  	[tilespmem:s26+$0xFFFFFFA0] =	vst v0  }
0x60: {  	v0 =	vld [tilespmem:s28+$0x70];
	_ =	sdelay $0x4  }
0x61: {  	s31 =	sand.u32 $0x3FC0, s29;
	s29 =	smov.u32 s30;
	[tilespmem:s26+$0xFFFFFFB0] =	vst v0  }
0x62: {  	v0 =	vld [tilespmem:s31+$0x5480];
	_ =	sdelay $0x4  }
0x63: {  	[tilespmem:s26+$0xFFFFFFC0] =	vst v0  }
0x64: {  	v0 =	vld [tilespmem:s28+$0x90];
	_ =	sdelay $0x4  }
0x65: {  	[tilespmem:s26+$0xFFFFFFD0] =	vst v0  }
0x66: {  	v0 =	vld [tilespmem:s28+$0xA0];
	_ =	sdelay $0x4  }
0x67: {  	[tilespmem:s26+$0xFFFFFFE0] =	vst v0  }
0x68: {  	v0 =	vld [tilespmem:s28+$0xB0];
	_ =	sdelay $0x4  }
0x69: {  	[tilespmem:s26+$0xFFFFFFF0] =	vst v0  }
0x6a: {  	v0 =	vld [tilespmem:s31+$0x7E00];
	_ =	sdelay $0x4  }
0x6b: {  	[tilespmem:s26+$0x0] =	vst v0  }
0x6c: {  	v0 =	vld [tilespmem:s28+$0x2A10];
	_ =	sdelay $0x4  }
0x6d: {  	[tilespmem:s26+$0x10] =	vst v0  }
0x6e: {  	v0 =	vld [tilespmem:s28+$0x2A20];
	_ =	sdelay $0x4  }
0x6f: {  	[tilespmem:s26+$0x20] =	vst v0  }
0x70: {  	v0 =	vld [tilespmem:s28+$0x2A30];
	_ =	sdelay $0x4  }
0x71: {  	[tilespmem:s26+$0x30] =	vst v0  }
0x72: {  	v0 =	vld [tilespmem:s28+$0x2A40];
	_ =	sdelay $0x4  }
0x73: {  	[tilespmem:s26+$0x40] =	vst v0  }
0x74: {  	v0 =	vld [tilespmem:s28+$0x2A50];
	_ =	sdelay $0x4  }
0x75: {  	[tilespmem:s26+$0x50] =	vst v0  }
0x76: {  	v0 =	vld [tilespmem:s28+$0x2A60];
	_ =	sdelay $0x4  }
0x77: {  	[tilespmem:s26+$0x60] =	vst v0  }
0x78: {  	v0 =	vld [tilespmem:s28+$0x2A70];
	_ =	sdelay $0x4  }
0x79: {  	[tilespmem:s26+$0x70] =	vst v0  }
0x7a: {  	v0 =	vld [tilespmem:s31+$0x7E80];
	_ =	sdelay $0x4  }
0x7b: {  	[tilespmem:s26+$0x80] =	vst v0  }
0x7c: {  	v0 =	vld [tilespmem:s28+$0x2A90];
	_ =	sdelay $0x4  }
0x7d: {  	[tilespmem:s26+$0x90] =	vst v0  }
0x7e: {  	v0 =	vld [tilespmem:s28+$0x2AA0];
	_ =	sdelay $0x4  }
0x7f: {  	[tilespmem:s26+$0xA0] =	vst v0  }
0x80: {  	v0 =	vld [tilespmem:s28+$0x2AB0];
	_ =	sdelay $0x1  }
.Ltmp2:
0x81: {  	(pc) =	sbr.rel @p0 .LBB2_2-.Ltmp2, $3  }
0x82: {  	_ =	sdelay $0x1  }
0x83: {  	s28 =	sadd.s32 $0xC0, s28;
	[tilespmem:s26+$0xB0] =	vst v0  }
0x84: {  	s30 =	sadd.s32 $0xC0, s30;
	v0 =	vld [tilespmem:s28+$0x0]  }
0x85: {  	_ =	sdelay $0x2  }
0x86: {  	s26 =	sadd.s32 $0x180, s26  }
0x87: {  	[tilespmem:s26+$0xFFFFFF40] =	vst v0  }
0x88: {  	v0 =	vld [tilespmem:s28+$0x10];
	_ =	sdelay $0x4  }
0x89: {  	[tilespmem:s26+$0xFFFFFF50] =	vst v0  }
0x8a: {  	v0 =	vld [tilespmem:s28+$0x20];
	_ =	sdelay $0x4  }
0x8b: {  	[tilespmem:s26+$0xFFFFFF60] =	vst v0  }
0x8c: {  	v0 =	vld [tilespmem:s28+$0x30];
	_ =	sdelay $0x4  }
0x8d: {  	[tilespmem:s26+$0xFFFFFF70] =	vst v0  }
0x8e: {  	v0 =	vld [tilespmem:s28+$0x40];
	_ =	sdelay $0x4  }
0x8f: {  	[tilespmem:s26+$0xFFFFFF80] =	vst v0  }
0x90: {  	v0 =	vld [tilespmem:s28+$0x50];
	_ =	sdelay $0x4  }
0x91: {  	[tilespmem:s26+$0xFFFFFF90] =	vst v0  }
0x92: {  	v0 =	vld [tilespmem:s28+$0x60];
	_ =	sdelay $0x4  }
0x93: {  	[tilespmem:s26+$0xFFFFFFA0] =	vst v0  }
0x94: {  	v0 =	vld [tilespmem:s28+$0x70];
	_ =	sdelay $0x4  }
0x95: {  	s29 =	sand.u32 $0x3FC0, s29;
	[tilespmem:s26+$0xFFFFFFB0] =	vst v0  }
0x96: {  	v0 =	vld [tilespmem:s29+$0x5480];
	_ =	sdelay $0x4  }
0x97: {  	[tilespmem:s26+$0xFFFFFFC0] =	vst v0  }
0x98: {  	v0 =	vld [tilespmem:s28+$0x90];
	_ =	sdelay $0x4  }
0x99: {  	[tilespmem:s26+$0xFFFFFFD0] =	vst v0  }
0x9a: {  	v0 =	vld [tilespmem:s28+$0xA0];
	_ =	sdelay $0x4  }
0x9b: {  	[tilespmem:s26+$0xFFFFFFE0] =	vst v0  }
0x9c: {  	v0 =	vld [tilespmem:s28+$0xB0];
	_ =	sdelay $0x4  }
0x9d: {  	[tilespmem:s26+$0xFFFFFFF0] =	vst v0  }
0x9e: {  	v0 =	vld [tilespmem:s29+$0x7E00];
	_ =	sdelay $0x4  }
0x9f: {  	[tilespmem:s26+$0x0] =	vst v0  }
0xa0: {  	v0 =	vld [tilespmem:s28+$0x2A10];
	_ =	sdelay $0x4  }
0xa1: {  	[tilespmem:s26+$0x10] =	vst v0  }
0xa2: {  	v0 =	vld [tilespmem:s28+$0x2A20];
	_ =	sdelay $0x4  }
0xa3: {  	[tilespmem:s26+$0x20] =	vst v0  }
0xa4: {  	v0 =	vld [tilespmem:s28+$0x2A30];
	_ =	sdelay $0x4  }
0xa5: {  	[tilespmem:s26+$0x30] =	vst v0  }
0xa6: {  	v0 =	vld [tilespmem:s28+$0x2A40];
	_ =	sdelay $0x4  }
0xa7: {  	[tilespmem:s26+$0x40] =	vst v0  }
0xa8: {  	v0 =	vld [tilespmem:s28+$0x2A50];
	_ =	sdelay $0x4  }
0xa9: {  	[tilespmem:s26+$0x50] =	vst v0  }
0xaa: {  	v0 =	vld [tilespmem:s28+$0x2A60];
	_ =	sdelay $0x4  }
0xab: {  	[tilespmem:s26+$0x60] =	vst v0  }
0xac: {  	v0 =	vld [tilespmem:s28+$0x2A70];
	_ =	sdelay $0x4  }
0xad: {  	[tilespmem:s26+$0x70] =	vst v0  }
0xae: {  	v0 =	vld [tilespmem:s29+$0x7E80];
	_ =	sdelay $0x4  }
0xaf: {  	[tilespmem:s26+$0x80] =	vst v0  }
0xb0: {  	v0 =	vld [tilespmem:s28+$0x2A90];
	_ =	sdelay $0x4  }
0xb1: {  	[tilespmem:s26+$0x90] =	vst v0  }
0xb2: {  	v0 =	vld [tilespmem:s28+$0x2AA0];
	_ =	sdelay $0x4  }
0xb3: {  	[tilespmem:s26+$0xA0] =	vst v0  }
0xb4: {  	v0 =	vld [tilespmem:s28+$0x2AB0];
	_ =	sdelay $0x4  }
0xb5: {  	[tilespmem:s26+$0xB0] =	vst v0;
	s26 =	simm.s32 $0x0  }
0xb6: {  	[tilespmem:s17], [sflag:$0x1] =	stream.linear.gather [hbm4b:s7+s26], $0x5400, $0x38;
	[tilespmem:$0x1A400] =	vst v63  }
0xb7: {  	_ = 	snop  }
0xb8: {  	[tilespmem:s18], [sflag:$0x2] =	stream.linear.gather [hbm4b:s10+s26], $0x5400, $0x38;
	[tilespmem:$0x1A400] =	vst v63  }
.LBB2_4:
0xb9: {  	_ =	swait.ge [sflag:s19], $0x5400  }
0xba: {  	p0 =	seq.s32 s26, $0x0;
	[sflag:s19] =	ssyncset.done $0x0  }
0xbb: {  	s28 =	simm.s32 @!p0 $0x3;
	[sflag:s19] =	ssyncadd.s32 $0xFFFFAC00  }
0xbc: {  	_ =	swait.ge @!p0 [sflag:s28], $0x5400  }
0xbd: {  	[sflag:s28] =	ssyncset.done @!p0 $0x0  }
0xbe: {  	s29 =	simm.s32 $0x0;
	[sflag:s28] =	ssyncadd.s32 @!p0 $0xFFFFAC00  }
0xbf: {  	v0 =	vld [tilespmem:s29+$0x5470]  }
0xc0: {  	v1 =	vld [tilespmem:s29+$0x70]  }
0xc1: {  	v2 =	vld [tilespmem:s29+$0x5400]  }
0xc2: {  	v3 =	vld [tilespmem:s29+$0x0]  }
0xc3: {  	v4 =	vld [tilespmem:s29+$0x5410]  }
0xc4: {  	v5 =	vld [tilespmem:s29+$0x10]  }
0xc5: {  	v6 =	vld [tilespmem:s29+$0x5420]  }
0xc6: {  	v7 =	vld [tilespmem:s29+$0x5430]  }
0xc7: {  	v0 =	vadd.f32 v1, v0;
	v1 =	vld [tilespmem:s29+$0x20]  }
0xc8: {  	v8 =	vld [tilespmem:s29+$0x30]  }
0xc9: {  	v9 =	vld [tilespmem:s29+$0x40];
	v2 =	vadd.f32 v3, v2  }
0xca: {  	[tilespmem:s29+$0xFC70] =	vst v0;
	v0 =	vadd.f32 v5, v4;
	v5 =	vld [tilespmem:s29+$0x5440]  }
0xcb: {  	v3 =	vld [tilespmem:s29+$0x50];
	[tilespmem:s29+$0xFC00] =	vst v2  }
0xcc: {  	v2 =	vld [tilespmem:s29+$0x5450];
	[tilespmem:s29+$0xFC10] =	vst v0;
	v0 =	vadd.f32 v1, v6  }
0xcd: {  	v4 =	vld [tilespmem:s29+$0x60];
	v6 =	vadd.f32 v8, v7  }
0xce: {  	s30 =	simm.s32 $0x80;
	[tilespmem:s29+$0xFC20] =	vst v0;
	v0 =	vld [tilespmem:s29+$0x5460]  }
0xcf: {  	s31 =	simm.s32 $0x400;
	s28 =	sshll.u32 s26, $0x1;
	v5 =	vadd.f32 v9, v5;
	v1 =	vld [tilespmem:s30+$0x5470];
	[tilespmem:s29+$0xFC30] =	vst v6  }
.LBB2_5:
0xd0: {  	p1 =	sne.s32 s31, $0x14E00;
	v6 =	vld [tilespmem:s30+$0x70]  }
0xd1: {  	v7 =	vld [tilespmem:s30+$0x5400];
	[tilespmem:s29+$0xFC40] =	vst v5;
	v2 =	vadd.f32 v3, v2  }
0xd2: {  	v3 =	vld [tilespmem:s30+$0x0]  }
0xd3: {  	v5 =	vld [tilespmem:s30+$0x5410];
	[tilespmem:s29+$0xFC50] =	vst v2;
	v0 =	vadd.f32 v4, v0  }
0xd4: {  	v2 =	vld [tilespmem:s30+$0x10]  }
0xd5: {  	v4 =	vld [tilespmem:s30+$0x5420];
	v1 =	vadd.f32 v6, v1;
	[tilespmem:s29+$0xFC60] =	vst v0;
	s29 =	smov.u32 s30  }
0xd6: {  	v0 =	vld [tilespmem:s29+$0x20]  }
0xd7: {  	v3 =	vadd.f32 v3, v7;
	v6 =	vld [tilespmem:s29+$0x5430];
	[tilespmem:s29+$0xFC70] =	vst v1  }
0xd8: {  	v1 =	vld [tilespmem:s29+$0x30]  }
0xd9: {  	[tilespmem:s29+$0xFC00] =	vst v3;
	v2 =	vadd.f32 v2, v5;
	v5 =	vld [tilespmem:s29+$0x5440]  }
0xda: {  	v7 =	vld [tilespmem:s29+$0x40]  }
.Ltmp3:
0xdb: {  	[tilespmem:s29+$0xFC10] =	vst v2;
	v0 =	vadd.f32 v0, v4;
	v2 =	vld [tilespmem:s29+$0x5450];
	(pc) =	sbr.rel @p1 .LBB2_5-.Ltmp3, $4  }
0xdc: {  	v3 =	vld [tilespmem:s29+$0x50]  }
0xdd: {  	[tilespmem:s29+$0xFC20] =	vst v0;
	v6 =	vadd.f32 v1, v6;
	v0 =	vld [tilespmem:s29+$0x5460]  }
0xde: {  	s30 =	sshra.s32 s31, $0x2;
	v4 =	vld [tilespmem:s29+$0x60]  }
0xdf: {  	s31 =	sadd.s32 $0x200, s31;
	v1 =	vld [tilespmem:s30+$0x5470];
	[tilespmem:s29+$0xFC30] =	vst v6;
	v5 =	vadd.f32 v7, v5  }
0xe0: {  	v6 =	vld [tilespmem:s30+$0x70]  }
0xe1: {  	v7 =	vld [tilespmem:s30+$0x5400];
	[tilespmem:s29+$0xFC40] =	vst v5;
	v2 =	vadd.f32 v3, v2  }
0xe2: {  	v51 =	vld [tilespmem:s30+$0x0]  }
0xe3: {  	v5 =	vld [tilespmem:s30+$0x5410];
	[tilespmem:s29+$0xFC50] =	vst v2;
	v0 =	vadd.f32 v4, v0  }
0xe4: {  	v2 =	vld [tilespmem:s30+$0x10]  }
0xe5: {  	v52 =	vld [tilespmem:s30+$0x5420];
	[tilespmem:s29+$0xFC60] =	vst v0  }
0xe6: {  	v54 =	vld [tilespmem:s30+$0x20]  }
0xe7: {  	v55 =	vld [tilespmem:s30+$0x5430]  }
0xe8: {  	v56 =	vld [tilespmem:s30+$0x30]  }
0xe9: {  	v57 =	vld [tilespmem:s30+$0x5440]  }
0xea: {  	v58 =	vld [tilespmem:s30+$0x40]  }
0xeb: {  	v59 =	vld [tilespmem:s30+$0x5450]  }
0xec: {  	v53 =	vadd.f32 v6, v1;
	v60 =	vld [tilespmem:s30+$0x50]  }
0xed: {  	v61 =	vld [tilespmem:s30+$0x5460];
	v3 =	vadd.f32 v51, v7  }
0xee: {  	v62 =	vld [tilespmem:s30+$0x60];
	[tilespmem:s30+$0xFC70] =	vst v53;
	v2 =	vadd.f32 v2, v5  }
0xef: {  	s31 =	sadd.s32 s6, s28;
	[tilespmem:s30+$0xFC00] =	vst v3;
	v1 =	vadd.f32 v54, v52  }
0xf0: {  	s29 =	smul.u32 $0xE0, s31;
	[tilespmem:s30+$0xFC10] =	vst v2;
	v0 =	vadd.f32 v56, v55  }
0xf1: {  	p1 =	sne.s32 s26, $0x37;
	v3 =	vadd.f32 v58, v57;
	[tilespmem:s30+$0xFC20] =	vst v1  }
.Ltmp4:
0xf2: {  	s29 =	sadd.s32 s3, s29;
	v63 =	vadd.f32 v60, v59;
	[tilespmem:s30+$0xFC30] =	vst v0;
	(pc) =	sbr.rel @p1 .LBB2_8-.Ltmp4, $4  }
0xf3: {  	s29 =	smul.u32 $0x30, s29;
	[tilespmem:s30+$0xFC40] =	vst v3;
	v1 =	vadd.f32 v62, v61  }
0xf4: {  	[tilespmem:s30+$0xFC50] =	vst v63  }
0xf5: {  	s29 =	sadd.s32 s5, s29;
	[tilespmem:s30+$0xFC60] =	vst v1  }
0xf6: {  	[hbm4b:s29+s4] =	stream.linear.scatter [tilespmem:s20], [sflag:$0x3], $0x5400, $0x38;
	[tilespmem:$0x1A400] =	vst v63  }
.Ltmp5:
0xf7: {  	(pc) =	sbr.rel .LBB2_9-.Ltmp5, $4  }
0xf8: {  	_ = 	snop  }
0xf9: {  	_ =	swait.ge [sflag:s21], $0x5400  }
0xfa: {  	[sflag:s21] =	ssyncset.done $0x0  }
0xfb: {  	[sflag:s21] =	ssyncadd.s32 $0xFFFFAC00  }
.LBB2_8:
0xfc: {  	s29 =	sadd.s32 s28, s11  }
0xfd: {  	s29 =	smul.u32 $0xE0, s29;
	_ =	sdelay $0x1  }
0xfe: {  	s29 =	sadd.s32 s3, s29  }
0xff: {  	s29 =	smul.u32 $0x30, s29;
	_ =	sdelay $0x1  }
.Ltmp6:
0x100: {  	s29 =	sadd.s32 s2, s29;
	(pc) =	sbr.rel @p0 .LBB2_10-.Ltmp6, $4  }
0x101: {  	[tilespmem:s17], [sflag:$0x1] =	stream.linear.gather [hbm4b:s29+s4], $0x5400, $0x38;
	[tilespmem:$0x1A400] =	vst v63  }
0x102: {  	_ =	swait.ge [sflag:s21], $0x5400  }
0x103: {  	[sflag:s21] =	ssyncset.done $0x0  }
0x104: {  	[sflag:s21] =	ssyncadd.s32 $0xFFFFAC00  }
.LBB2_9:
0x105: {  	_ =	swait.ge [sflag:s22], $0x5400  }
0x106: {  	[sflag:s22] =	ssyncset.done $0x0  }
0x107: {  	[sflag:s22] =	ssyncadd.s32 $0xFFFFAC00  }
.LBB2_10:
0x108: {  	s29 =	simm.s32 $0x0  }
0x109: {  	v0 =	vld [tilespmem:s29+$0xA870]  }
0x10a: {  	v1 =	vld [tilespmem:s29+$0x70]  }
0x10b: {  	v2 =	vld [tilespmem:s29+$0xA800]  }
0x10c: {  	v3 =	vld [tilespmem:s29+$0x0]  }
0x10d: {  	v4 =	vld [tilespmem:s29+$0xA810]  }
0x10e: {  	v5 =	vld [tilespmem:s29+$0x10]  }
0x10f: {  	v6 =	vld [tilespmem:s29+$0xA820]  }
0x110: {  	v7 =	vld [tilespmem:s29+$0xA830]  }
0x111: {  	v0 =	vadd.f32 v1, v0;
	v1 =	vld [tilespmem:s29+$0x20]  }
0x112: {  	v8 =	vld [tilespmem:s29+$0x30]  }
0x113: {  	v9 =	vld [tilespmem:s29+$0x40];
	v2 =	vadd.f32 v3, v2  }
0x114: {  	[tilespmem:s29+$0x15070] =	vst v0;
	v0 =	vadd.f32 v5, v4;
	v5 =	vld [tilespmem:s29+$0xA840]  }
0x115: {  	v3 =	vld [tilespmem:s29+$0x50];
	[tilespmem:s29+$0x15000] =	vst v2  }
0x116: {  	v2 =	vld [tilespmem:s29+$0xA850];
	[tilespmem:s29+$0x15010] =	vst v0;
	v0 =	vadd.f32 v1, v6  }
0x117: {  	v4 =	vld [tilespmem:s29+$0x60];
	v6 =	vadd.f32 v8, v7  }
0x118: {  	s30 =	simm.s32 $0x80;
	[tilespmem:s29+$0x15020] =	vst v0;
	v0 =	vld [tilespmem:s29+$0xA860]  }
0x119: {  	s31 =	simm.s32 $0x400;
	v5 =	vadd.f32 v9, v5;
	v1 =	vld [tilespmem:s30+$0xA870];
	[tilespmem:s29+$0x15030] =	vst v6  }
.LBB2_11:
0x11a: {  	p0 =	sne.s32 s31, $0x14E00;
	v6 =	vld [tilespmem:s30+$0x70]  }
0x11b: {  	v7 =	vld [tilespmem:s30+$0xA800];
	[tilespmem:s29+$0x15040] =	vst v5;
	v2 =	vadd.f32 v3, v2  }
0x11c: {  	v3 =	vld [tilespmem:s30+$0x0]  }
0x11d: {  	v5 =	vld [tilespmem:s30+$0xA810];
	[tilespmem:s29+$0x15050] =	vst v2;
	v0 =	vadd.f32 v4, v0  }
0x11e: {  	v2 =	vld [tilespmem:s30+$0x10]  }
0x11f: {  	v4 =	vld [tilespmem:s30+$0xA820];
	v1 =	vadd.f32 v6, v1;
	[tilespmem:s29+$0x15060] =	vst v0;
	s29 =	smov.u32 s30  }
0x120: {  	v0 =	vld [tilespmem:s29+$0x20]  }
0x121: {  	v3 =	vadd.f32 v3, v7;
	v6 =	vld [tilespmem:s29+$0xA830];
	[tilespmem:s29+$0x15070] =	vst v1  }
0x122: {  	v1 =	vld [tilespmem:s29+$0x30]  }
0x123: {  	[tilespmem:s29+$0x15000] =	vst v3;
	v2 =	vadd.f32 v2, v5;
	v5 =	vld [tilespmem:s29+$0xA840]  }
0x124: {  	v7 =	vld [tilespmem:s29+$0x40]  }
.Ltmp7:
0x125: {  	[tilespmem:s29+$0x15010] =	vst v2;
	v0 =	vadd.f32 v0, v4;
	v2 =	vld [tilespmem:s29+$0xA850];
	(pc) =	sbr.rel @p0 .LBB2_11-.Ltmp7, $4  }
0x126: {  	v3 =	vld [tilespmem:s29+$0x50]  }
0x127: {  	[tilespmem:s29+$0x15020] =	vst v0;
	v6 =	vadd.f32 v1, v6;
	v0 =	vld [tilespmem:s29+$0xA860]  }
0x128: {  	s30 =	sshra.s32 s31, $0x2;
	v4 =	vld [tilespmem:s29+$0x60]  }
0x129: {  	s31 =	sadd.s32 $0x200, s31;
	v1 =	vld [tilespmem:s30+$0xA870];
	[tilespmem:s29+$0x15030] =	vst v6;
	v5 =	vadd.f32 v7, v5  }
0x12a: {  	v6 =	vld [tilespmem:s30+$0x70]  }
0x12b: {  	v7 =	vld [tilespmem:s30+$0xA800];
	[tilespmem:s29+$0x15040] =	vst v5;
	v2 =	vadd.f32 v3, v2  }
0x12c: {  	v51 =	vld [tilespmem:s30+$0x0]  }
0x12d: {  	v5 =	vld [tilespmem:s30+$0xA810];
	[tilespmem:s29+$0x15050] =	vst v2;
	v0 =	vadd.f32 v4, v0  }
0x12e: {  	v2 =	vld [tilespmem:s30+$0x10]  }
0x12f: {  	v52 =	vld [tilespmem:s30+$0xA820];
	[tilespmem:s29+$0x15060] =	vst v0  }
0x130: {  	v54 =	vld [tilespmem:s30+$0x20]  }
0x131: {  	v55 =	vld [tilespmem:s30+$0xA830]  }
0x132: {  	v56 =	vld [tilespmem:s30+$0x30]  }
0x133: {  	v57 =	vld [tilespmem:s30+$0xA840]  }
0x134: {  	v58 =	vld [tilespmem:s30+$0x40]  }
0x135: {  	v59 =	vld [tilespmem:s30+$0xA850]  }
0x136: {  	v53 =	vadd.f32 v6, v1;
	v60 =	vld [tilespmem:s30+$0x50]  }
0x137: {  	v61 =	vld [tilespmem:s30+$0xA860];
	v3 =	vadd.f32 v51, v7  }
0x138: {  	v62 =	vld [tilespmem:s30+$0x60];
	[tilespmem:s30+$0x15070] =	vst v53;
	v2 =	vadd.f32 v2, v5  }
0x139: {  	s31 =	sadd.s32 s28, s12;
	[tilespmem:s30+$0x15000] =	vst v3;
	v1 =	vadd.f32 v54, v52  }
0x13a: {  	s29 =	smul.u32 $0xE0, s31;
	[tilespmem:s30+$0x15010] =	vst v2;
	v0 =	vadd.f32 v56, v55  }
0x13b: {  	p0 =	seq.s32 s26, $0x37;
	v3 =	vadd.f32 v58, v57;
	[tilespmem:s30+$0x15020] =	vst v1  }
.Ltmp8:
0x13c: {  	s29 =	sadd.s32 s3, s29;
	v63 =	vadd.f32 v60, v59;
	[tilespmem:s30+$0x15030] =	vst v0;
	(pc) =	sbr.rel @p0 .LBB2_14-.Ltmp8, $4  }
0x13d: {  	s29 =	smul.u32 $0x30, s29;
	[tilespmem:s30+$0x15040] =	vst v3;
	v1 =	vadd.f32 v62, v61  }
0x13e: {  	[tilespmem:s30+$0x15050] =	vst v63  }
0x13f: {  	s29 =	sadd.s32 s5, s29;
	[tilespmem:s30+$0x15060] =	vst v1  }
0x140: {  	[hbm4b:s29+s4] =	stream.linear.scatter [tilespmem:s23], [sflag:$0x4], $0x5400, $0x38;
	[tilespmem:$0x1A400] =	vst v63  }
0x141: {  	s28 =	sadd.s32 s28, s13  }
0x142: {  	s28 =	smul.u32 $0xE0, s28;
	_ =	sdelay $0x1  }
.Ltmp9:
0x143: {  	s28 =	sadd.s32 s3, s28;
	(pc) =	sbr.rel .LBB2_4-.Ltmp9, $3  }
0x144: {  	s28 =	smul.u32 $0x30, s28;
	_ =	sdelay $0x1  }
0x145: {  	s26 =	sadd.s32 $0x1, s26;
	s28 =	sadd.s32 s2, s28  }
0x146: {  	[tilespmem:s18], [sflag:$0x2] =	stream.linear.gather [hbm4b:s28+s4], $0x5400, $0x38;
	[tilespmem:$0x1A400] =	vst v63  }
.LBB2_15:
0x147: {  	_ =	sfence.sel $0x180000  }
0x148: {  	[bflag:$0x0] =	sbarrier.arrive $0xFFFF  }
0x149: {  	p0 =	sne.s32 s0, $0x0;
	_ =	strace $0x90000047  }
0x14a: {  	s0 =	sadd.s32 @!p0 $0x100000, s1;
	[bflag:$0x2] =	sbarrier.arrive $0xFFFF  }
0x14b: {  	[sflag:s0] =	ssyncadd.tile.s32 @!p0 $0x1;
	_ =	shalt  }
.Lfunc_end2:
_tile_overlayer_lowered:
.L_overlay_start_2:
0x14c: {  	(tag) =	ssettag $0x2  }
0x14d: {  	s0 =	rddreg [dreg:$0x0];
	s2 =	stileid.u32  }
0x14e: {  	s1 =	rddreg [dreg:$0x1];
	p0 =	sne.s32 s2, $0x0  }
0x14f: {  	s3 =	rddreg [dreg:$0x2];
	[bflag:$0x3] =	sbarrier.arrive $0xFFFF;
	s2 =	simm.s32 @!p0 $0x1C05  }
0x150: {  	[timem:s3], [sflag:s2] =	dma.local @!p0 [hbm:s0], s1  }
0x151: {  	s0 =	simm.s32 @!p0 $0x5  }
0x152: {  	_ =	swait.ge @!p0 [sflag:s0], s1  }
0x153: {  	s1 =	ssub.s32 @!p0 $0x0, s1;
	[sflag:s0] =	ssyncset.done @!p0 $0x0  }
0x154: {  	[sflag:s0] =	ssyncadd.s32 @!p0 s1  }
0x155: {  	[bflag:$0x3] =	sbarrier.arrive $0xFFFF  }
0x156: {  	_ =	shalt  }

</sc_bundles>
